<compile_context>
chip_gen: v7x
topology: tpu7x:2x2x1
jax: 0.10.2.dev20260603
libtpu: 0.0.44.dev20260713+nightly
codegen_flags: <defaults>
</compile_context>

<pallas_src>
import functools

import jax
import jax.numpy as jnp
import numpy as np
from jax import lax
from jax.experimental import pallas as pl
from jax.experimental.pallas import tpu as pltpu
from jax.experimental.pallas import tpu_sc as plsc

_P = 16
_NG = 24
_MASK_HEX = 0x3fb1ba87b53c66a55686f42a960ba650617a98fd1147f1ec95001871007dc656f12df699122ad5b25d199ac67833e13b0c42836153440def8d0f1e99c1e51d973eadcd2f8dc77f75

_NPLANES = 768
_SEGS = 9216
_HALF = _SEGS // 2
_CHUNK = 128
_ROWS = _SEGS // _CHUNK
_TROWS = 18
_TSEG = _TROWS * _CHUNK
_NW = 32
_PPW = _NPLANES // _NW


def _pattern_np() -> np.ndarray:
    bits = np.frombuffer(f"{_MASK_HEX:0576b}".encode(), np.uint8) - ord("0")
    segs = np.arange(_SEGS)
    patch = (segs // (_NG * _P)) * _NG + segs % _NG
    from2 = bits[patch].astype(bool)
    assert int(from2.sum()) == _HALF
    pat = np.concatenate([segs[~from2], segs[from2]]).astype(np.int32)
    return pat.reshape(_ROWS, _CHUNK)


_PAT_NP = _pattern_np()

_info = plsc.get_sparse_core_info()
_NC, _NS = _info.num_cores, _info.num_subcores


@functools.partial(
    pl.kernel,
    mesh=plsc.VectorSubcoreMesh(core_axis_name="c", subcore_axis_name="s"),
    out_type=jax.ShapeDtypeStruct((_NPLANES, _SEGS, _P), jnp.float32),
    scratch_types=[
        pltpu.VMEM((_ROWS, _CHUNK), jnp.int32),
        pltpu.VMEM((2, _TSEG, _P), jnp.float32),
        pltpu.SemaphoreType.DMA,
        pltpu.SemaphoreType.DMA,
        pltpu.SemaphoreType.DMA,
    ],
    compiler_params=pltpu.CompilerParams(use_tc_tiling_on_sc=False),
)
def _sc_move(x1r, x2r, patr, outr, pat_v, buf, semg, sems0, sems1):
    wid = lax.axis_index("s") * _NC + lax.axis_index("c")
    pltpu.sync_copy(patr, pat_v)
    p0 = wid * _PPW

    def plane_body(pi, carry):
        p = p0 + pi
        for k in range(4):
            b = k % 2
            src = x1r if k < 2 else x2r
            r0 = k * _TROWS
            sems_b = sems0 if b == 0 else sems1

            def drain_scatter():
                pltpu.make_async_copy(
                    buf.at[b], outr.at[0].at[pl.ds(0, _TSEG)], sems_b
                ).wait()

            if k < 2:
                @pl.when(pi > 0)
                def _():
                    drain_scatter()
            else:
                drain_scatter()

            def gbody(j, c):
                pltpu.async_copy(
                    src.at[p].at[pat_v.at[r0 + j]],
                    buf.at[b].at[pl.ds(j * _CHUNK, _CHUNK)],
                    semg,
                )
                return c

            lax.fori_loop(0, _TROWS, gbody, 0)
            pltpu.make_async_copy(
                x1r.at[0].at[pl.ds(0, _TSEG)], buf.at[b], semg
            ).wait()

            def sbody(j, c):
                pltpu.async_copy(
                    buf.at[b].at[pl.ds(j * _CHUNK, _CHUNK)],
                    outr.at[p].at[pat_v.at[r0 + j]],
                    sems_b,
                )
                return c

            lax.fori_loop(0, _TROWS, sbody, 0)
        return carry

    lax.fori_loop(0, _PPW, plane_body, 0)
    pltpu.make_async_copy(buf.at[0], outr.at[0].at[pl.ds(0, _TSEG)], sems0).wait()
    pltpu.make_async_copy(buf.at[1], outr.at[0].at[pl.ds(0, _TSEG)], sems1).wait()


def kernel(x1, x2):
    B, C, H, W = x1.shape
    a = x1.reshape(_NPLANES, _SEGS, _P)
    b = x2.reshape(_NPLANES, _SEGS, _P)
    pat = jnp.asarray(_PAT_NP)
    out = _sc_move(a, b, pat)
    return out.reshape(B, C, H, W)

# --- scband reference (transcript-rebuilt; emitter-appended) ---
"""Pipeline reference for scband-multi-random-patch-masking-7224134992538 (READ-ONLY COPY).

The authoritative reference and input builder live on the scoring server;
editing this copy changes nothing except your own understanding.
"""

import jax, jax.numpy as jnp
import numpy as np

PATCH = 16

def _to_patches(x, p):
    B, C, H, W = x.shape
    nh, nw = H // p, W // p
    # equivalent of torch unfold(2,p,p).unfold(3,p,p) -> (B,C,nh,nw,p,p), then flatten last two dims
    xp = x.reshape(B, C, nh, p, nw, p).transpose(0, 1, 2, 4, 3, 5)
    return xp.reshape(B, C, nh * nw, p * p), nh, nw

def setup_inputs(seed: int = 0):
    key = jax.random.key(seed)
    k1, k2 = jax.random.split(key)
    x1 = jax.random.normal(k1, (8, 96, 384, 384), dtype=jnp.float32)
    x2 = jax.random.normal(k2, (8, 96, 384, 384), dtype=jnp.float32)
    return {"x1": x1, "x2": x2}

def reference(x1, x2):
    p = PATCH
    B, C, H, W = x1.shape
    patches_1, nh, nw = _to_patches(x1, p)
    patches_2, _, _ = _to_patches(x2, p)
    total = nh * nw
    num_mask = int(0.5 * total)
    # torch.randperm equivalent; fixed key for determinism
    rand_pos = jax.random.permutation(jax.random.key(42), total)
    mask_pos_1 = rand_pos[:num_mask]
    # scatter-overwrite: copy masked patches from x2 into x1's patch grid
    patches_1 = patches_1.at[:, :, mask_pos_1, :].set(patches_2[:, :, mask_pos_1, :])
    rec = patches_1.reshape(B, C, nh, nw, p, p).transpose(0, 1, 2, 4, 3, 5).reshape(B, C, H, W)
    return rec

if __name__ == "__main__":
    import jax
    _d = setup_inputs()
    print(jax.jit(kernel)(*tuple(_d.values())))

</pallas_src>

<mosaic_0001>
#map = affine_map<(d0, d1) -> (0, 0, 0)>
#map1 = affine_map<(d0, d1) -> (0, 0)>
module attributes {stable_mosaic.version = 14 : i64} {
  func.func @_sc_move(%arg0: i32, %arg1: i32, %arg2: memref<768x9216x16xf32, #tpu.memory_space<hbm>>, %arg3: memref<768x9216x16xf32, #tpu.memory_space<hbm>>, %arg4: memref<72x128xi32, #tpu.memory_space<hbm>>, %arg5: memref<768x9216x16xf32, #tpu.memory_space<hbm>>, %arg6: memref<72x128xi32, #tpu.memory_space<vmem>>, %arg7: memref<2x2304x16xf32, #tpu.memory_space<vmem>>, %arg8: memref<!tpu.dma_semaphore, #tpu.memory_space<semaphore_mem>>, %arg9: memref<!tpu.dma_semaphore, #tpu.memory_space<semaphore_mem>>, %arg10: memref<!tpu.dma_semaphore, #tpu.memory_space<semaphore_mem>>) attributes {dimension_semantics = [#tpu.dimension_semantics<core_parallel>, #tpu.dimension_semantics<subcore_parallel>], iteration_bounds = array<i64: 2, 16>, scalar_prefetch = 0 : i64, scratch_operands = 5 : i64, tpu.core_type = #tpu.core_type<sc_vector_subcore>, window_params = [{transform_indices = #map}, {transform_indices = #map}, {transform_indices = #map1}, {transform_indices = #map}]} {
    %mul3A = arith.constant 2 : i32
    %mul3A_0 = arith.muli %arg1, %mul3A : i32
    %add3A = arith.addi %mul3A_0, %arg0 : i32
    "tpu.region"() ({
      %run_scoped3A = tpu.sem_alloc : memref<!tpu.dma_semaphore, #tpu.memory_space<semaphore_mem>>
      tpu.enqueue_dma source(%arg4 : memref<72x128xi32, #tpu.memory_space<hbm>>) target(%arg6 : memref<72x128xi32, #tpu.memory_space<vmem>>) target_semaphore(%run_scoped3A : memref<!tpu.dma_semaphore, #tpu.memory_space<semaphore_mem>>)
      tpu.wait_dma2 semaphore(%run_scoped3A : memref<!tpu.dma_semaphore, #tpu.memory_space<semaphore_mem>>) src(%arg4 : memref<72x128xi32, #tpu.memory_space<hbm>>) dst(%arg6 : memref<72x128xi32, #tpu.memory_space<vmem>>)
      tpu.yield
    }) : () -> ()
    %mul3A_1 = arith.constant 24 : i32
    %mul3A_2 = arith.muli %add3A, %mul3A_1 : i32
    %scan3A = arith.constant 0 : i32
    %scan3A_3 = arith.constant 0 : i32
    %scan3A_4 = arith.constant 24 : i32
    %scan3A_5 = arith.addi %scan3A_3, %scan3A_4 : i32
    %scan3A_6 = arith.constant 1 : i32
    scf.for %scan3A_55 = %scan3A_3 to %scan3A_5 step %scan3A_6  : i32 {
      %add3A_56 = arith.addi %mul3A_2, %scan3A_55 : i32
      %gt3A = arith.constant 0 : i32
      %gt3A_57 = arith.cmpi sgt, %scan3A_55, %gt3A : i32
      %convert_element_type3A = arith.extui %gt3A_57 : i1 to i32
      %cond3A = arith.constant 0 : i32
      %cond3A_58 = arith.cmpi ne, %convert_element_type3A, %cond3A : i32
      scf.if %cond3A_58 {
        %dma_wait3A_256 = arith.constant 0 : i32
        %dma_wait3A_257 = arith.constant 0 : i32
        %dma_wait3A_258 = arith.constant 0 : i32
        %dma_wait3A_259 = arith.constant 0 : i32
        %dma_wait3A_260 = tpu.memref_slice %arg7[%dma_wait3A_256, %dma_wait3A_258, %dma_wait3A_259] : memref<2x2304x16xf32, #tpu.memory_space<vmem>> -> memref<1x2304x16xf32, #tpu.memory_space<vmem>>
        %dma_wait3A_261 = tpu.memref_squeeze %dma_wait3A_260 : memref<1x2304x16xf32, #tpu.memory_space<vmem>> -> memref<2304x16xf32, #tpu.memory_space<vmem>>
        %dma_wait3A_262 = arith.constant 0 : i32
        %dma_wait3A_263 = arith.constant 0 : i32
        %dma_wait3A_264 = tpu.memref_slice %arg5[%dma_wait3A_257, %dma_wait3A_262, %dma_wait3A_263] : memref<768x9216x16xf32, #tpu.memory_space<hbm>> -> memref<1x9216x16xf32, #tpu.memory_space<hbm>>
        %dma_wait3A_265 = tpu.memref_squeeze %dma_wait3A_264 : memref<1x9216x16xf32, #tpu.memory_space<hbm>> -> memref<9216x16xf32, #tpu.memory_space<hbm>>
        %dma_wait3A_266 = arith.constant 0 : i32
        %dma_wait3A_267 = arith.constant 0 : i32
        %dma_wait3A_268 = tpu.memref_slice %dma_wait3A_265[%dma_wait3A_266, %dma_wait3A_267] : memref<9216x16xf32, #tpu.memory_space<hbm>> -> memref<2304x16xf32, #tpu.memory_space<hbm>>
        %dma_wait3A_269 = arith.constant 0 : i32
        %dma_wait3A_270 = arith.constant 0 : i32
        %dma_wait3A_271 = tpu.memref_slice %arg5[%dma_wait3A_257, %dma_wait3A_269, %dma_wait3A_270] : memref<768x9216x16xf32, #tpu.memory_space<hbm>> -> memref<1x9216x16xf32, #tpu.memory_space<hbm>>
        %dma_wait3A_272 = tpu.memref_squeeze %dma_wait3A_271 : memref<1x9216x16xf32, #tpu.memory_space<hbm>> -> memref<9216x16xf32, #tpu.memory_space<hbm>>
        %dma_wait3A_273 = arith.constant 0 : i32
        %dma_wait3A_274 = arith.constant 0 : i32
        %dma_wait3A_275 = tpu.memref_slice %dma_wait3A_272[%dma_wait3A_273, %dma_wait3A_274] : memref<9216x16xf32, #tpu.memory_space<hbm>> -> memref<2304x16xf32, #tpu.memory_space<hbm>>
        %dma_wait3A_276 = arith.constant 0 : i32
        %dma_wait3A_277 = arith.constant 0 : i32
        %dma_wait3A_278 = tpu.memref_slice %arg7[%dma_wait3A_256, %dma_wait3A_276, %dma_wait3A_277] : memref<2x2304x16xf32, #tpu.memory_space<vmem>> -> memref<1x2304x16xf32, #tpu.memory_space<vmem>>
        %dma_wait3A_279 = tpu.memref_squeeze %dma_wait3A_278 : memref<1x2304x16xf32, #tpu.memory_space<vmem>> -> memref<2304x16xf32, #tpu.memory_space<vmem>>
        tpu.wait_dma2 semaphore(%arg9 : memref<!tpu.dma_semaphore, #tpu.memory_space<semaphore_mem>>) src(%dma_wait3A_279 : memref<2304x16xf32, #tpu.memory_space<vmem>>) dst(%dma_wait3A_275 : memref<2304x16xf32, #tpu.memory_space<hbm>>)
      } else {
      }
      %scan3A_59 = arith.constant 0 : i32
      %scan3A_60 = arith.constant 0 : i32
      %scan3A_61 = arith.constant 18 : i32
      %scan3A_62 = arith.addi %scan3A_60, %scan3A_61 : i32
      %scan3A_63 = arith.constant 1 : i32
      scf.for %scan3A_256 = %scan3A_60 to %scan3A_62 step %scan3A_63  : i32 {
        %add3A_257 = arith.constant 0 : i32
        %add3A_258 = arith.addi %add3A_257, %scan3A_256 : i32
        %mul3A_259 = arith.constant 128 : i32
        %mul3A_260 = arith.muli %scan3A_256, %mul3A_259 : i32
        %dma_start3A = arith.constant 0 : i32
        %dma_start3A_261 = arith.constant 0 : i32
        %dma_start3A_262 = arith.constant 0 : i32
        %dma_start3A_263 = tpu.memref_slice %arg7[%dma_start3A, %dma_start3A_261, %dma_start3A_262] : memref<2x2304x16xf32, #tpu.memory_space<vmem>> -> memref<1x2304x16xf32, #tpu.memory_space<vmem>>
        %dma_start3A_264 = tpu.memref_squeeze %dma_start3A_263 : memref<1x2304x16xf32, #tpu.memory_space<vmem>> -> memref<2304x16xf32, #tpu.memory_space<vmem>>
        %dma_start3A_265 = arith.constant 0 : i32
        %dma_start3A_266 = tpu.memref_slice %dma_start3A_264[%mul3A_260, %dma_start3A_265] : memref<2304x16xf32, #tpu.memory_space<vmem>> -> memref<128x16xf32, #tpu.memory_space<vmem>>
        %dma_start3A_267 = arith.constant 0 : i32
        %dma_start3A_268 = tpu.memref_slice %arg6[%add3A_258, %dma_start3A_267] : memref<72x128xi32, #tpu.memory_space<vmem>> -> memref<1x128xi32, #tpu.memory_space<vmem>>
        %dma_start3A_269 = tpu.memref_squeeze %dma_start3A_268 : memref<1x128xi32, #tpu.memory_space<vmem>> -> memref<128xi32, #tpu.memory_space<vmem>>
        %dma_start3A_270 = arith.constant 0 : i32
        %dma_start3A_271 = arith.constant 0 : i32
        %dma_start3A_272 = tpu.memref_slice %arg2[%add3A_56, %dma_start3A_270, %dma_start3A_271] : memref<768x9216x16xf32, #tpu.memory_space<hbm>> -> memref<1x9216x16xf32, #tpu.memory_space<hbm>>
        %dma_start3A_273 = tpu.memref_squeeze %dma_start3A_272 : memref<1x9216x16xf32, #tpu.memory_space<hbm>> -> memref<9216x16xf32, #tpu.memory_space<hbm>>
        %dma_start3A_274 = arith.constant 0 : i32
        %dma_start3A_275 = arith.constant 0 : i32
        %dma_start3A_276 = tpu.memref_slice %dma_start3A_273[%dma_start3A_274, %dma_start3A_275] : memref<9216x16xf32, #tpu.memory_space<hbm>> -> memref<9216x16xf32, #tpu.memory_space<hbm>>
        tpu.enqueue_indirect_dma source(%dma_start3A_276 : memref<9216x16xf32, #tpu.memory_space<hbm>>) target(%dma_start3A_266 : memref<128x16xf32, #tpu.memory_space<vmem>>) offsets(%dma_start3A_269 : memref<128xi32, #tpu.memory_space<vmem>>) semaphore(%arg8 : memref<!tpu.dma_semaphore, #tpu.memory_space<semaphore_mem>>)
      }
      %scan3A_64 = arith.constant 18 : i32
      %dma_wait3A_65 = arith.constant 0 : i32
      %dma_wait3A_66 = arith.constant 0 : i32
      %dma_wait3A_67 = arith.constant 0 : i32
      %dma_wait3A_68 = arith.constant 0 : i32
      %dma_wait3A_69 = tpu.memref_slice %arg7[%dma_wait3A_66, %dma_wait3A_67, %dma_wait3A_68] : memref<2x2304x16xf32, #tpu.memory_space<vmem>> -> memref<1x2304x16xf32, #tpu.memory_space<vmem>>
      %dma_wait3A_70 = tpu.memref_squeeze %dma_wait3A_69 : memref<1x2304x16xf32, #tpu.memory_space<vmem>> -> memref<2304x16xf32, #tpu.memory_space<vmem>>
      %dma_wait3A_71 = arith.constant 0 : i32
      %dma_wait3A_72 = arith.constant 0 : i32
      %dma_wait3A_73 = tpu.memref_slice %arg2[%dma_wait3A_65, %dma_wait3A_71, %dma_wait3A_72] : memref<768x9216x16xf32, #tpu.memory_space<hbm>> -> memref<1x9216x16xf32, #tpu.memory_space<hbm>>
      %dma_wait3A_74 = tpu.memref_squeeze %dma_wait3A_73 : memref<1x9216x16xf32, #tpu.memory_space<hbm>> -> memref<9216x16xf32, #tpu.memory_space<hbm>>
      %dma_wait3A_75 = arith.constant 0 : i32
      %dma_wait3A_76 = arith.constant 0 : i32
      %dma_wait3A_77 = tpu.memref_slice %dma_wait3A_74[%dma_wait3A_75, %dma_wait3A_76] : memref<9216x16xf32, #tpu.memory_space<hbm>> -> memref<2304x16xf32, #tpu.memory_space<hbm>>
      %dma_wait3A_78 = arith.constant 0 : i32
      %dma_wait3A_79 = arith.constant 0 : i32
      %dma_wait3A_80 = tpu.memref_slice %arg7[%dma_wait3A_66, %dma_wait3A_78, %dma_wait3A_79] : memref<2x2304x16xf32, #tpu.memory_space<vmem>> -> memref<1x2304x16xf32, #tpu.memory_space<vmem>>
      %dma_wait3A_81 = tpu.memref_squeeze %dma_wait3A_80 : memref<1x2304x16xf32, #tpu.memory_space<vmem>> -> memref<2304x16xf32, #tpu.memory_space<vmem>>
      %dma_wait3A_82 = arith.constant 0 : i32
      %dma_wait3A_83 = arith.constant 0 : i32
      %dma_wait3A_84 = tpu.memref_slice %arg2[%dma_wait3A_65, %dma_wait3A_82, %dma_wait3A_83] : memref<768x9216x16xf32, #tpu.memory_space<hbm>> -> memref<1x9216x16xf32, #tpu.memory_space<hbm>>
      %dma_wait3A_85 = tpu.memref_squeeze %dma_wait3A_84 : memref<1x9216x16xf32, #tpu.memory_space<hbm>> -> memref<9216x16xf32, #tpu.memory_space<hbm>>
      %dma_wait3A_86 = arith.constant 0 : i32
      %dma_wait3A_87 = arith.constant 0 : i32
      %dma_wait3A_88 = tpu.memref_slice %dma_wait3A_85[%dma_wait3A_86, %dma_wait3A_87] : memref<9216x16xf32, #tpu.memory_space<hbm>> -> memref<2304x16xf32, #tpu.memory_space<hbm>>
      tpu.wait_dma2 semaphore(%arg8 : memref<!tpu.dma_semaphore, #tpu.memory_space<semaphore_mem>>) src(%dma_wait3A_88 : memref<2304x16xf32, #tpu.memory_space<hbm>>) dst(%dma_wait3A_81 : memref<2304x16xf32, #tpu.memory_space<vmem>>)
      %scan3A_89 = arith.constant 0 : i32
      %scan3A_90 = arith.constant 0 : i32
      %scan3A_91 = arith.constant 18 : i32
      %scan3A_92 = arith.addi %scan3A_90, %scan3A_91 : i32
      %scan3A_93 = arith.constant 1 : i32
      scf.for %scan3A_256 = %scan3A_90 to %scan3A_92 step %scan3A_93  : i32 {
        %mul3A_257 = arith.constant 128 : i32
        %mul3A_258 = arith.muli %scan3A_256, %mul3A_257 : i32
        %add3A_259 = arith.constant 0 : i32
        %add3A_260 = arith.addi %add3A_259, %scan3A_256 : i32
        %dma_start3A = arith.constant 0 : i32
        %dma_start3A_261 = arith.constant 0 : i32
        %dma_start3A_262 = arith.constant 0 : i32
        %dma_start3A_263 = tpu.memref_slice %arg7[%dma_start3A, %dma_start3A_261, %dma_start3A_262] : memref<2x2304x16xf32, #tpu.memory_space<vmem>> -> memref<1x2304x16xf32, #tpu.memory_space<vmem>>
        %dma_start3A_264 = tpu.memref_squeeze %dma_start3A_263 : memref<1x2304x16xf32, #tpu.memory_space<vmem>> -> memref<2304x16xf32, #tpu.memory_space<vmem>>
        %dma_start3A_265 = arith.constant 0 : i32
        %dma_start3A_266 = tpu.memref_slice %dma_start3A_264[%mul3A_258, %dma_start3A_265] : memref<2304x16xf32, #tpu.memory_space<vmem>> -> memref<128x16xf32, #tpu.memory_space<vmem>>
        %dma_start3A_267 = arith.constant 0 : i32
        %dma_start3A_268 = tpu.memref_slice %arg6[%add3A_260, %dma_start3A_267] : memref<72x128xi32, #tpu.memory_space<vmem>> -> memref<1x128xi32, #tpu.memory_space<vmem>>
        %dma_start3A_269 = tpu.memref_squeeze %dma_start3A_268 : memref<1x128xi32, #tpu.memory_space<vmem>> -> memref<128xi32, #tpu.memory_space<vmem>>
        %dma_start3A_270 = arith.constant 0 : i32
        %dma_start3A_271 = arith.constant 0 : i32
        %dma_start3A_272 = tpu.memref_slice %arg5[%add3A_56, %dma_start3A_270, %dma_start3A_271] : memref<768x9216x16xf32, #tpu.memory_space<hbm>> -> memref<1x9216x16xf32, #tpu.memory_space<hbm>>
        %dma_start3A_273 = tpu.memref_squeeze %dma_start3A_272 : memref<1x9216x16xf32, #tpu.memory_space<hbm>> -> memref<9216x16xf32, #tpu.memory_space<hbm>>
        %dma_start3A_274 = arith.constant 0 : i32
        %dma_start3A_275 = arith.constant 0 : i32
        %dma_start3A_276 = tpu.memref_slice %dma_start3A_273[%dma_start3A_274, %dma_start3A_275] : memref<9216x16xf32, #tpu.memory_space<hbm>> -> memref<9216x16xf32, #tpu.memory_space<hbm>>
        tpu.enqueue_indirect_dma source(%dma_start3A_266 : memref<128x16xf32, #tpu.memory_space<vmem>>) target(%dma_start3A_276 : memref<9216x16xf32, #tpu.memory_space<hbm>>) offsets(%dma_start3A_269 : memref<128xi32, #tpu.memory_space<vmem>>) semaphore(%arg9 : memref<!tpu.dma_semaphore, #tpu.memory_space<semaphore_mem>>)
      }
      %scan3A_94 = arith.constant 18 : i32
      %gt3A_95 = arith.constant 0 : i32
      %gt3A_96 = arith.cmpi sgt, %scan3A_55, %gt3A_95 : i32
      %convert_element_type3A_97 = arith.extui %gt3A_96 : i1 to i32
      %cond3A_98 = arith.constant 0 : i32
      %cond3A_99 = arith.cmpi ne, %convert_element_type3A_97, %cond3A_98 : i32
      scf.if %cond3A_99 {
        %dma_wait3A_256 = arith.constant 1 : i32
        %dma_wait3A_257 = arith.constant 0 : i32
        %dma_wait3A_258 = arith.constant 0 : i32
        %dma_wait3A_259 = arith.constant 0 : i32
        %dma_wait3A_260 = tpu.memref_slice %arg7[%dma_wait3A_256, %dma_wait3A_258, %dma_wait3A_259] : memref<2x2304x16xf32, #tpu.memory_space<vmem>> -> memref<1x2304x16xf32, #tpu.memory_space<vmem>>
        %dma_wait3A_261 = tpu.memref_squeeze %dma_wait3A_260 : memref<1x2304x16xf32, #tpu.memory_space<vmem>> -> memref<2304x16xf32, #tpu.memory_space<vmem>>
        %dma_wait3A_262 = arith.constant 0 : i32
        %dma_wait3A_263 = arith.constant 0 : i32
        %dma_wait3A_264 = tpu.memref_slice %arg5[%dma_wait3A_257, %dma_wait3A_262, %dma_wait3A_263] : memref<768x9216x16xf32, #tpu.memory_space<hbm>> -> memref<1x9216x16xf32, #tpu.memory_space<hbm>>
        %dma_wait3A_265 = tpu.memref_squeeze %dma_wait3A_264 : memref<1x9216x16xf32, #tpu.memory_space<hbm>> -> memref<9216x16xf32, #tpu.memory_space<hbm>>
        %dma_wait3A_266 = arith.constant 0 : i32
        %dma_wait3A_267 = arith.constant 0 : i32
        %dma_wait3A_268 = tpu.memref_slice %dma_wait3A_265[%dma_wait3A_266, %dma_wait3A_267] : memref<9216x16xf32, #tpu.memory_space<hbm>> -> memref<2304x16xf32, #tpu.memory_space<hbm>>
        %dma_wait3A_269 = arith.constant 0 : i32
        %dma_wait3A_270 = arith.constant 0 : i32
        %dma_wait3A_271 = tpu.memref_slice %arg5[%dma_wait3A_257, %dma_wait3A_269, %dma_wait3A_270] : memref<768x9216x16xf32, #tpu.memory_space<hbm>> -> memref<1x9216x16xf32, #tpu.memory_space<hbm>>
        %dma_wait3A_272 = tpu.memref_squeeze %dma_wait3A_271 : memref<1x9216x16xf32, #tpu.memory_space<hbm>> -> memref<9216x16xf32, #tpu.memory_space<hbm>>
        %dma_wait3A_273 = arith.constant 0 : i32
        %dma_wait3A_274 = arith.constant 0 : i32
        %dma_wait3A_275 = tpu.memref_slice %dma_wait3A_272[%dma_wait3A_273, %dma_wait3A_274] : memref<9216x16xf32, #tpu.memory_space<hbm>> -> memref<2304x16xf32, #tpu.memory_space<hbm>>
        %dma_wait3A_276 = arith.constant 0 : i32
        %dma_wait3A_277 = arith.constant 0 : i32
        %dma_wait3A_278 = tpu.memref_slice %arg7[%dma_wait3A_256, %dma_wait3A_276, %dma_wait3A_277] : memref<2x2304x16xf32, #tpu.memory_space<vmem>> -> memref<1x2304x16xf32, #tpu.memory_space<vmem>>
        %dma_wait3A_279 = tpu.memref_squeeze %dma_wait3A_278 : memref<1x2304x16xf32, #tpu.memory_space<vmem>> -> memref<2304x16xf32, #tpu.memory_space<vmem>>
        tpu.wait_dma2 semaphore(%arg10 : memref<!tpu.dma_semaphore, #tpu.memory_space<semaphore_mem>>) src(%dma_wait3A_279 : memref<2304x16xf32, #tpu.memory_space<vmem>>) dst(%dma_wait3A_275 : memref<2304x16xf32, #tpu.memory_space<hbm>>)
      } else {
      }
      %scan3A_100 = arith.constant 0 : i32
      %scan3A_101 = arith.constant 0 : i32
      %scan3A_102 = arith.constant 18 : i32
      %scan3A_103 = arith.addi %scan3A_101, %scan3A_102 : i32
      %scan3A_104 = arith.constant 1 : i32
      scf.for %scan3A_256 = %scan3A_101 to %scan3A_103 step %scan3A_104  : i32 {
        %add3A_257 = arith.constant 18 : i32
        %add3A_258 = arith.addi %add3A_257, %scan3A_256 : i32
        %mul3A_259 = arith.constant 128 : i32
        %mul3A_260 = arith.muli %scan3A_256, %mul3A_259 : i32
        %dma_start3A = arith.constant 1 : i32
        %dma_start3A_261 = arith.constant 0 : i32
        %dma_start3A_262 = arith.constant 0 : i32
        %dma_start3A_263 = tpu.memref_slice %arg7[%dma_start3A, %dma_start3A_261, %dma_start3A_262] : memref<2x2304x16xf32, #tpu.memory_space<vmem>> -> memref<1x2304x16xf32, #tpu.memory_space<vmem>>
        %dma_start3A_264 = tpu.memref_squeeze %dma_start3A_263 : memref<1x2304x16xf32, #tpu.memory_space<vmem>> -> memref<2304x16xf32, #tpu.memory_space<vmem>>
        %dma_start3A_265 = arith.constant 0 : i32
        %dma_start3A_266 = tpu.memref_slice %dma_start3A_264[%mul3A_260, %dma_start3A_265] : memref<2304x16xf32, #tpu.memory_space<vmem>> -> memref<128x16xf32, #tpu.memory_space<vmem>>
        %dma_start3A_267 = arith.constant 0 : i32
        %dma_start3A_268 = tpu.memref_slice %arg6[%add3A_258, %dma_start3A_267] : memref<72x128xi32, #tpu.memory_space<vmem>> -> memref<1x128xi32, #tpu.memory_space<vmem>>
        %dma_start3A_269 = tpu.memref_squeeze %dma_start3A_268 : memref<1x128xi32, #tpu.memory_space<vmem>> -> memref<128xi32, #tpu.memory_space<vmem>>
        %dma_start3A_270 = arith.constant 0 : i32
        %dma_start3A_271 = arith.constant 0 : i32
        %dma_start3A_272 = tpu.memref_slice %arg2[%add3A_56, %dma_start3A_270, %dma_start3A_271] : memref<768x9216x16xf32, #tpu.memory_space<hbm>> -> memref<1x9216x16xf32, #tpu.memory_space<hbm>>
        %dma_start3A_273 = tpu.memref_squeeze %dma_start3A_272 : memref<1x9216x16xf32, #tpu.memory_space<hbm>> -> memref<9216x16xf32, #tpu.memory_space<hbm>>
        %dma_start3A_274 = arith.constant 0 : i32
        %dma_start3A_275 = arith.constant 0 : i32
        %dma_start3A_276 = tpu.memref_slice %dma_start3A_273[%dma_start3A_274, %dma_start3A_275] : memref<9216x16xf32, #tpu.memory_space<hbm>> -> memref<9216x16xf32, #tpu.memory_space<hbm>>
        tpu.enqueue_indirect_dma source(%dma_start3A_276 : memref<9216x16xf32, #tpu.memory_space<hbm>>) target(%dma_start3A_266 : memref<128x16xf32, #tpu.memory_space<vmem>>) offsets(%dma_start3A_269 : memref<128xi32, #tpu.memory_space<vmem>>) semaphore(%arg8 : memref<!tpu.dma_semaphore, #tpu.memory_space<semaphore_mem>>)
      }
      %scan3A_105 = arith.constant 18 : i32
      %dma_wait3A_106 = arith.constant 0 : i32
      %dma_wait3A_107 = arith.constant 1 : i32
      %dma_wait3A_108 = arith.constant 0 : i32
      %dma_wait3A_109 = arith.constant 0 : i32
      %dma_wait3A_110 = tpu.memref_slice %arg7[%dma_wait3A_107, %dma_wait3A_108, %dma_wait3A_109] : memref<2x2304x16xf32, #tpu.memory_space<vmem>> -> memref<1x2304x16xf32, #tpu.memory_space<vmem>>
      %dma_wait3A_111 = tpu.memref_squeeze %dma_wait3A_110 : memref<1x2304x16xf32, #tpu.memory_space<vmem>> -> memref<2304x16xf32, #tpu.memory_space<vmem>>
      %dma_wait3A_112 = arith.constant 0 : i32
      %dma_wait3A_113 = arith.constant 0 : i32
      %dma_wait3A_114 = tpu.memref_slice %arg2[%dma_wait3A_106, %dma_wait3A_112, %dma_wait3A_113] : memref<768x9216x16xf32, #tpu.memory_space<hbm>> -> memref<1x9216x16xf32, #tpu.memory_space<hbm>>
      %dma_wait3A_115 = tpu.memref_squeeze %dma_wait3A_114 : memref<1x9216x16xf32, #tpu.memory_space<hbm>> -> memref<9216x16xf32, #tpu.memory_space<hbm>>
      %dma_wait3A_116 = arith.constant 0 : i32
      %dma_wait3A_117 = arith.constant 0 : i32
      %dma_wait3A_118 = tpu.memref_slice %dma_wait3A_115[%dma_wait3A_116, %dma_wait3A_117] : memref<9216x16xf32, #tpu.memory_space<hbm>> -> memref<2304x16xf32, #tpu.memory_space<hbm>>
      %dma_wait3A_119 = arith.constant 0 : i32
      %dma_wait3A_120 = arith.constant 0 : i32
      %dma_wait3A_121 = tpu.memref_slice %arg7[%dma_wait3A_107, %dma_wait3A_119, %dma_wait3A_120] : memref<2x2304x16xf32, #tpu.memory_space<vmem>> -> memref<1x2304x16xf32, #tpu.memory_space<vmem>>
      %dma_wait3A_122 = tpu.memref_squeeze %dma_wait3A_121 : memref<1x2304x16xf32, #tpu.memory_space<vmem>> -> memref<2304x16xf32, #tpu.memory_space<vmem>>
      %dma_wait3A_123 = arith.constant 0 : i32
      %dma_wait3A_124 = arith.constant 0 : i32
      %dma_wait3A_125 = tpu.memref_slice %arg2[%dma_wait3A_106, %dma_wait3A_123, %dma_wait3A_124] : memref<768x9216x16xf32, #tpu.memory_space<hbm>> -> memref<1x9216x16xf32, #tpu.memory_space<hbm>>
      %dma_wait3A_126 = tpu.memref_squeeze %dma_wait3A_125 : memref<1x9216x16xf32, #tpu.memory_space<hbm>> -> memref<9216x16xf32, #tpu.memory_space<hbm>>
      %dma_wait3A_127 = arith.constant 0 : i32
      %dma_wait3A_128 = arith.constant 0 : i32
      %dma_wait3A_129 = tpu.memref_slice %dma_wait3A_126[%dma_wait3A_127, %dma_wait3A_128] : memref<9216x16xf32, #tpu.memory_space<hbm>> -> memref<2304x16xf32, #tpu.memory_space<hbm>>
      tpu.wait_dma2 semaphore(%arg8 : memref<!tpu.dma_semaphore, #tpu.memory_space<semaphore_mem>>) src(%dma_wait3A_129 : memref<2304x16xf32, #tpu.memory_space<hbm>>) dst(%dma_wait3A_122 : memref<2304x16xf32, #tpu.memory_space<vmem>>)
      %scan3A_130 = arith.constant 0 : i32
      %scan3A_131 = arith.constant 0 : i32
      %scan3A_132 = arith.constant 18 : i32
      %scan3A_133 = arith.addi %scan3A_131, %scan3A_132 : i32
      %scan3A_134 = arith.constant 1 : i32
      scf.for %scan3A_256 = %scan3A_131 to %scan3A_133 step %scan3A_134  : i32 {
        %mul3A_257 = arith.constant 128 : i32
        %mul3A_258 = arith.muli %scan3A_256, %mul3A_257 : i32
        %add3A_259 = arith.constant 18 : i32
        %add3A_260 = arith.addi %add3A_259, %scan3A_256 : i32
        %dma_start3A = arith.constant 1 : i32
        %dma_start3A_261 = arith.constant 0 : i32
        %dma_start3A_262 = arith.constant 0 : i32
        %dma_start3A_263 = tpu.memref_slice %arg7[%dma_start3A, %dma_start3A_261, %dma_start3A_262] : memref<2x2304x16xf32, #tpu.memory_space<vmem>> -> memref<1x2304x16xf32, #tpu.memory_space<vmem>>
        %dma_start3A_264 = tpu.memref_squeeze %dma_start3A_263 : memref<1x2304x16xf32, #tpu.memory_space<vmem>> -> memref<2304x16xf32, #tpu.memory_space<vmem>>
        %dma_start3A_265 = arith.constant 0 : i32
        %dma_start3A_266 = tpu.memref_slice %dma_start3A_264[%mul3A_258, %dma_start3A_265] : memref<2304x16xf32, #tpu.memory_space<vmem>> -> memref<128x16xf32, #tpu.memory_space<vmem>>
        %dma_start3A_267 = arith.constant 0 : i32
        %dma_start3A_268 = tpu.memref_slice %arg6[%add3A_260, %dma_start3A_267] : memref<72x128xi32, #tpu.memory_space<vmem>> -> memref<1x128xi32, #tpu.memory_space<vmem>>
        %dma_start3A_269 = tpu.memref_squeeze %dma_start3A_268 : memref<1x128xi32, #tpu.memory_space<vmem>> -> memref<128xi32, #tpu.memory_space<vmem>>
        %dma_start3A_270 = arith.constant 0 : i32
        %dma_start3A_271 = arith.constant 0 : i32
        %dma_start3A_272 = tpu.memref_slice %arg5[%add3A_56, %dma_start3A_270, %dma_start3A_271] : memref<768x9216x16xf32, #tpu.memory_space<hbm>> -> memref<1x9216x16xf32, #tpu.memory_space<hbm>>
        %dma_start3A_273 = tpu.memref_squeeze %dma_start3A_272 : memref<1x9216x16xf32, #tpu.memory_space<hbm>> -> memref<9216x16xf32, #tpu.memory_space<hbm>>
        %dma_start3A_274 = arith.constant 0 : i32
        %dma_start3A_275 = arith.constant 0 : i32
        %dma_start3A_276 = tpu.memref_slice %dma_start3A_273[%dma_start3A_274, %dma_start3A_275] : memref<9216x16xf32, #tpu.memory_space<hbm>> -> memref<9216x16xf32, #tpu.memory_space<hbm>>
        tpu.enqueue_indirect_dma source(%dma_start3A_266 : memref<128x16xf32, #tpu.memory_space<vmem>>) target(%dma_start3A_276 : memref<9216x16xf32, #tpu.memory_space<hbm>>) offsets(%dma_start3A_269 : memref<128xi32, #tpu.memory_space<vmem>>) semaphore(%arg10 : memref<!tpu.dma_semaphore, #tpu.memory_space<semaphore_mem>>)
      }
      %scan3A_135 = arith.constant 18 : i32
      %dma_wait3A_136 = arith.constant 0 : i32
      %dma_wait3A_137 = arith.constant 0 : i32
      %dma_wait3A_138 = arith.constant 0 : i32
      %dma_wait3A_139 = arith.constant 0 : i32
      %dma_wait3A_140 = tpu.memref_slice %arg7[%dma_wait3A_136, %dma_wait3A_138, %dma_wait3A_139] : memref<2x2304x16xf32, #tpu.memory_space<vmem>> -> memref<1x2304x16xf32, #tpu.memory_space<vmem>>
      %dma_wait3A_141 = tpu.memref_squeeze %dma_wait3A_140 : memref<1x2304x16xf32, #tpu.memory_space<vmem>> -> memref<2304x16xf32, #tpu.memory_space<vmem>>
      %dma_wait3A_142 = arith.constant 0 : i32
      %dma_wait3A_143 = arith.constant 0 : i32
      %dma_wait3A_144 = tpu.memref_slice %arg5[%dma_wait3A_137, %dma_wait3A_142, %dma_wait3A_143] : memref<768x9216x16xf32, #tpu.memory_space<hbm>> -> memref<1x9216x16xf32, #tpu.memory_space<hbm>>
      %dma_wait3A_145 = tpu.memref_squeeze %dma_wait3A_144 : memref<1x9216x16xf32, #tpu.memory_space<hbm>> -> memref<9216x16xf32, #tpu.memory_space<hbm>>
      %dma_wait3A_146 = arith.constant 0 : i32
      %dma_wait3A_147 = arith.constant 0 : i32
      %dma_wait3A_148 = tpu.memref_slice %dma_wait3A_145[%dma_wait3A_146, %dma_wait3A_147] : memref<9216x16xf32, #tpu.memory_space<hbm>> -> memref<2304x16xf32, #tpu.memory_space<hbm>>
      %dma_wait3A_149 = arith.constant 0 : i32
      %dma_wait3A_150 = arith.constant 0 : i32
      %dma_wait3A_151 = tpu.memref_slice %arg5[%dma_wait3A_137, %dma_wait3A_149, %dma_wait3A_150] : memref<768x9216x16xf32, #tpu.memory_space<hbm>> -> memref<1x9216x16xf32, #tpu.memory_space<hbm>>
      %dma_wait3A_152 = tpu.memref_squeeze %dma_wait3A_151 : memref<1x9216x16xf32, #tpu.memory_space<hbm>> -> memref<9216x16xf32, #tpu.memory_space<hbm>>
      %dma_wait3A_153 = arith.constant 0 : i32
      %dma_wait3A_154 = arith.constant 0 : i32
      %dma_wait3A_155 = tpu.memref_slice %dma_wait3A_152[%dma_wait3A_153, %dma_wait3A_154] : memref<9216x16xf32, #tpu.memory_space<hbm>> -> memref<2304x16xf32, #tpu.memory_space<hbm>>
      %dma_wait3A_156 = arith.constant 0 : i32
      %dma_wait3A_157 = arith.constant 0 : i32
      %dma_wait3A_158 = tpu.memref_slice %arg7[%dma_wait3A_136, %dma_wait3A_156, %dma_wait3A_157] : memref<2x2304x16xf32, #tpu.memory_space<vmem>> -> memref<1x2304x16xf32, #tpu.memory_space<vmem>>
      %dma_wait3A_159 = tpu.memref_squeeze %dma_wait3A_158 : memref<1x2304x16xf32, #tpu.memory_space<vmem>> -> memref<2304x16xf32, #tpu.memory_space<vmem>>
      tpu.wait_dma2 semaphore(%arg9 : memref<!tpu.dma_semaphore, #tpu.memory_space<semaphore_mem>>) src(%dma_wait3A_159 : memref<2304x16xf32, #tpu.memory_space<vmem>>) dst(%dma_wait3A_155 : memref<2304x16xf32, #tpu.memory_space<hbm>>)
      %scan3A_160 = arith.constant 0 : i32
      %scan3A_161 = arith.constant 0 : i32
      %scan3A_162 = arith.constant 18 : i32
      %scan3A_163 = arith.addi %scan3A_161, %scan3A_162 : i32
      %scan3A_164 = arith.constant 1 : i32
      scf.for %scan3A_256 = %scan3A_161 to %scan3A_163 step %scan3A_164  : i32 {
        %add3A_257 = arith.constant 36 : i32
        %add3A_258 = arith.addi %add3A_257, %scan3A_256 : i32
        %mul3A_259 = arith.constant 128 : i32
        %mul3A_260 = arith.muli %scan3A_256, %mul3A_259 : i32
        %dma_start3A = arith.constant 0 : i32
        %dma_start3A_261 = arith.constant 0 : i32
        %dma_start3A_262 = arith.constant 0 : i32
        %dma_start3A_263 = tpu.memref_slice %arg7[%dma_start3A, %dma_start3A_261, %dma_start3A_262] : memref<2x2304x16xf32, #tpu.memory_space<vmem>> -> memref<1x2304x16xf32, #tpu.memory_space<vmem>>
        %dma_start3A_264 = tpu.memref_squeeze %dma_start3A_263 : memref<1x2304x16xf32, #tpu.memory_space<vmem>> -> memref<2304x16xf32, #tpu.memory_space<vmem>>
        %dma_start3A_265 = arith.constant 0 : i32
        %dma_start3A_266 = tpu.memref_slice %dma_start3A_264[%mul3A_260, %dma_start3A_265] : memref<2304x16xf32, #tpu.memory_space<vmem>> -> memref<128x16xf32, #tpu.memory_space<vmem>>
        %dma_start3A_267 = arith.constant 0 : i32
        %dma_start3A_268 = tpu.memref_slice %arg6[%add3A_258, %dma_start3A_267] : memref<72x128xi32, #tpu.memory_space<vmem>> -> memref<1x128xi32, #tpu.memory_space<vmem>>
        %dma_start3A_269 = tpu.memref_squeeze %dma_start3A_268 : memref<1x128xi32, #tpu.memory_space<vmem>> -> memref<128xi32, #tpu.memory_space<vmem>>
        %dma_start3A_270 = arith.constant 0 : i32
        %dma_start3A_271 = arith.constant 0 : i32
        %dma_start3A_272 = tpu.memref_slice %arg3[%add3A_56, %dma_start3A_270, %dma_start3A_271] : memref<768x9216x16xf32, #tpu.memory_space<hbm>> -> memref<1x9216x16xf32, #tpu.memory_space<hbm>>
        %dma_start3A_273 = tpu.memref_squeeze %dma_start3A_272 : memref<1x9216x16xf32, #tpu.memory_space<hbm>> -> memref<9216x16xf32, #tpu.memory_space<hbm>>
        %dma_start3A_274 = arith.constant 0 : i32
        %dma_start3A_275 = arith.constant 0 : i32
        %dma_start3A_276 = tpu.memref_slice %dma_start3A_273[%dma_start3A_274, %dma_start3A_275] : memref<9216x16xf32, #tpu.memory_space<hbm>> -> memref<9216x16xf32, #tpu.memory_space<hbm>>
        tpu.enqueue_indirect_dma source(%dma_start3A_276 : memref<9216x16xf32, #tpu.memory_space<hbm>>) target(%dma_start3A_266 : memref<128x16xf32, #tpu.memory_space<vmem>>) offsets(%dma_start3A_269 : memref<128xi32, #tpu.memory_space<vmem>>) semaphore(%arg8 : memref<!tpu.dma_semaphore, #tpu.memory_space<semaphore_mem>>)
      }
      %scan3A_165 = arith.constant 18 : i32
      %dma_wait3A_166 = arith.constant 0 : i32
      %dma_wait3A_167 = arith.constant 0 : i32
      %dma_wait3A_168 = arith.constant 0 : i32
      %dma_wait3A_169 = arith.constant 0 : i32
      %dma_wait3A_170 = tpu.memref_slice %arg7[%dma_wait3A_167, %dma_wait3A_168, %dma_wait3A_169] : memref<2x2304x16xf32, #tpu.memory_space<vmem>> -> memref<1x2304x16xf32, #tpu.memory_space<vmem>>
      %dma_wait3A_171 = tpu.memref_squeeze %dma_wait3A_170 : memref<1x2304x16xf32, #tpu.memory_space<vmem>> -> memref<2304x16xf32, #tpu.memory_space<vmem>>
      %dma_wait3A_172 = arith.constant 0 : i32
      %dma_wait3A_173 = arith.constant 0 : i32
      %dma_wait3A_174 = tpu.memref_slice %arg2[%dma_wait3A_166, %dma_wait3A_172, %dma_wait3A_173] : memref<768x9216x16xf32, #tpu.memory_space<hbm>> -> memref<1x9216x16xf32, #tpu.memory_space<hbm>>
      %dma_wait3A_175 = tpu.memref_squeeze %dma_wait3A_174 : memref<1x9216x16xf32, #tpu.memory_space<hbm>> -> memref<9216x16xf32, #tpu.memory_space<hbm>>
      %dma_wait3A_176 = arith.constant 0 : i32
      %dma_wait3A_177 = arith.constant 0 : i32
      %dma_wait3A_178 = tpu.memref_slice %dma_wait3A_175[%dma_wait3A_176, %dma_wait3A_177] : memref<9216x16xf32, #tpu.memory_space<hbm>> -> memref<2304x16xf32, #tpu.memory_space<hbm>>
      %dma_wait3A_179 = arith.constant 0 : i32
      %dma_wait3A_180 = arith.constant 0 : i32
      %dma_wait3A_181 = tpu.memref_slice %arg7[%dma_wait3A_167, %dma_wait3A_179, %dma_wait3A_180] : memref<2x2304x16xf32, #tpu.memory_space<vmem>> -> memref<1x2304x16xf32, #tpu.memory_space<vmem>>
      %dma_wait3A_182 = tpu.memref_squeeze %dma_wait3A_181 : memref<1x2304x16xf32, #tpu.memory_space<vmem>> -> memref<2304x16xf32, #tpu.memory_space<vmem>>
      %dma_wait3A_183 = arith.constant 0 : i32
      %dma_wait3A_184 = arith.constant 0 : i32
      %dma_wait3A_185 = tpu.memref_slice %arg2[%dma_wait3A_166, %dma_wait3A_183, %dma_wait3A_184] : memref<768x9216x16xf32, #tpu.memory_space<hbm>> -> memref<1x9216x16xf32, #tpu.memory_space<hbm>>
      %dma_wait3A_186 = tpu.memref_squeeze %dma_wait3A_185 : memref<1x9216x16xf32, #tpu.memory_space<hbm>> -> memref<9216x16xf32, #tpu.memory_space<hbm>>
      %dma_wait3A_187 = arith.constant 0 : i32
      %dma_wait3A_188 = arith.constant 0 : i32
      %dma_wait3A_189 = tpu.memref_slice %dma_wait3A_186[%dma_wait3A_187, %dma_wait3A_188] : memref<9216x16xf32, #tpu.memory_space<hbm>> -> memref<2304x16xf32, #tpu.memory_space<hbm>>
      tpu.wait_dma2 semaphore(%arg8 : memref<!tpu.dma_semaphore, #tpu.memory_space<semaphore_mem>>) src(%dma_wait3A_189 : memref<2304x16xf32, #tpu.memory_space<hbm>>) dst(%dma_wait3A_182 : memref<2304x16xf32, #tpu.memory_space<vmem>>)
      %scan3A_190 = arith.constant 0 : i32
      %scan3A_191 = arith.constant 0 : i32
      %scan3A_192 = arith.constant 18 : i32
      %scan3A_193 = arith.addi %scan3A_191, %scan3A_192 : i32
      %scan3A_194 = arith.constant 1 : i32
      scf.for %scan3A_256 = %scan3A_191 to %scan3A_193 step %scan3A_194  : i32 {
        %mul3A_257 = arith.constant 128 : i32
        %mul3A_258 = arith.muli %scan3A_256, %mul3A_257 : i32
        %add3A_259 = arith.constant 36 : i32
        %add3A_260 = arith.addi %add3A_259, %scan3A_256 : i32
        %dma_start3A = arith.constant 0 : i32
        %dma_start3A_261 = arith.constant 0 : i32
        %dma_start3A_262 = arith.constant 0 : i32
        %dma_start3A_263 = tpu.memref_slice %arg7[%dma_start3A, %dma_start3A_261, %dma_start3A_262] : memref<2x2304x16xf32, #tpu.memory_space<vmem>> -> memref<1x2304x16xf32, #tpu.memory_space<vmem>>
        %dma_start3A_264 = tpu.memref_squeeze %dma_start3A_263 : memref<1x2304x16xf32, #tpu.memory_space<vmem>> -> memref<2304x16xf32, #tpu.memory_space<vmem>>
        %dma_start3A_265 = arith.constant 0 : i32
        %dma_start3A_266 = tpu.memref_slice %dma_start3A_264[%mul3A_258, %dma_start3A_265] : memref<2304x16xf32, #tpu.memory_space<vmem>> -> memref<128x16xf32, #tpu.memory_space<vmem>>
        %dma_start3A_267 = arith.constant 0 : i32
        %dma_start3A_268 = tpu.memref_slice %arg6[%add3A_260, %dma_start3A_267] : memref<72x128xi32, #tpu.memory_space<vmem>> -> memref<1x128xi32, #tpu.memory_space<vmem>>
        %dma_start3A_269 = tpu.memref_squeeze %dma_start3A_268 : memref<1x128xi32, #tpu.memory_space<vmem>> -> memref<128xi32, #tpu.memory_space<vmem>>
        %dma_start3A_270 = arith.constant 0 : i32
        %dma_start3A_271 = arith.constant 0 : i32
        %dma_start3A_272 = tpu.memref_slice %arg5[%add3A_56, %dma_start3A_270, %dma_start3A_271] : memref<768x9216x16xf32, #tpu.memory_space<hbm>> -> memref<1x9216x16xf32, #tpu.memory_space<hbm>>
        %dma_start3A_273 = tpu.memref_squeeze %dma_start3A_272 : memref<1x9216x16xf32, #tpu.memory_space<hbm>> -> memref<9216x16xf32, #tpu.memory_space<hbm>>
        %dma_start3A_274 = arith.constant 0 : i32
        %dma_start3A_275 = arith.constant 0 : i32
        %dma_start3A_276 = tpu.memref_slice %dma_start3A_273[%dma_start3A_274, %dma_start3A_275] : memref<9216x16xf32, #tpu.memory_space<hbm>> -> memref<9216x16xf32, #tpu.memory_space<hbm>>
        tpu.enqueue_indirect_dma source(%dma_start3A_266 : memref<128x16xf32, #tpu.memory_space<vmem>>) target(%dma_start3A_276 : memref<9216x16xf32, #tpu.memory_space<hbm>>) offsets(%dma_start3A_269 : memref<128xi32, #tpu.memory_space<vmem>>) semaphore(%arg9 : memref<!tpu.dma_semaphore, #tpu.memory_space<semaphore_mem>>)
      }
      %scan3A_195 = arith.constant 18 : i32
      %dma_wait3A_196 = arith.constant 1 : i32
      %dma_wait3A_197 = arith.constant 0 : i32
      %dma_wait3A_198 = arith.constant 0 : i32
      %dma_wait3A_199 = arith.constant 0 : i32
      %dma_wait3A_200 = tpu.memref_slice %arg7[%dma_wait3A_196, %dma_wait3A_198, %dma_wait3A_199] : memref<2x2304x16xf32, #tpu.memory_space<vmem>> -> memref<1x2304x16xf32, #tpu.memory_space<vmem>>
      %dma_wait3A_201 = tpu.memref_squeeze %dma_wait3A_200 : memref<1x2304x16xf32, #tpu.memory_space<vmem>> -> memref<2304x16xf32, #tpu.memory_space<vmem>>
      %dma_wait3A_202 = arith.constant 0 : i32
      %dma_wait3A_203 = arith.constant 0 : i32
      %dma_wait3A_204 = tpu.memref_slice %arg5[%dma_wait3A_197, %dma_wait3A_202, %dma_wait3A_203] : memref<768x9216x16xf32, #tpu.memory_space<hbm>> -> memref<1x9216x16xf32, #tpu.memory_space<hbm>>
      %dma_wait3A_205 = tpu.memref_squeeze %dma_wait3A_204 : memref<1x9216x16xf32, #tpu.memory_space<hbm>> -> memref<9216x16xf32, #tpu.memory_space<hbm>>
      %dma_wait3A_206 = arith.constant 0 : i32
      %dma_wait3A_207 = arith.constant 0 : i32
      %dma_wait3A_208 = tpu.memref_slice %dma_wait3A_205[%dma_wait3A_206, %dma_wait3A_207] : memref<9216x16xf32, #tpu.memory_space<hbm>> -> memref<2304x16xf32, #tpu.memory_space<hbm>>
      %dma_wait3A_209 = arith.constant 0 : i32
      %dma_wait3A_210 = arith.constant 0 : i32
      %dma_wait3A_211 = tpu.memref_slice %arg5[%dma_wait3A_197, %dma_wait3A_209, %dma_wait3A_210] : memref<768x9216x16xf32, #tpu.memory_space<hbm>> -> memref<1x9216x16xf32, #tpu.memory_space<hbm>>
      %dma_wait3A_212 = tpu.memref_squeeze %dma_wait3A_211 : memref<1x9216x16xf32, #tpu.memory_space<hbm>> -> memref<9216x16xf32, #tpu.memory_space<hbm>>
      %dma_wait3A_213 = arith.constant 0 : i32
      %dma_wait3A_214 = arith.constant 0 : i32
      %dma_wait3A_215 = tpu.memref_slice %dma_wait3A_212[%dma_wait3A_213, %dma_wait3A_214] : memref<9216x16xf32, #tpu.memory_space<hbm>> -> memref<2304x16xf32, #tpu.memory_space<hbm>>
      %dma_wait3A_216 = arith.constant 0 : i32
      %dma_wait3A_217 = arith.constant 0 : i32
      %dma_wait3A_218 = tpu.memref_slice %arg7[%dma_wait3A_196, %dma_wait3A_216, %dma_wait3A_217] : memref<2x2304x16xf32, #tpu.memory_space<vmem>> -> memref<1x2304x16xf32, #tpu.memory_space<vmem>>
      %dma_wait3A_219 = tpu.memref_squeeze %dma_wait3A_218 : memref<1x2304x16xf32, #tpu.memory_space<vmem>> -> memref<2304x16xf32, #tpu.memory_space<vmem>>
      tpu.wait_dma2 semaphore(%arg10 : memref<!tpu.dma_semaphore, #tpu.memory_space<semaphore_mem>>) src(%dma_wait3A_219 : memref<2304x16xf32, #tpu.memory_space<vmem>>) dst(%dma_wait3A_215 : memref<2304x16xf32, #tpu.memory_space<hbm>>)
      %scan3A_220 = arith.constant 0 : i32
      %scan3A_221 = arith.constant 0 : i32
      %scan3A_222 = arith.constant 18 : i32
      %scan3A_223 = arith.addi %scan3A_221, %scan3A_222 : i32
      %scan3A_224 = arith.constant 1 : i32
      scf.for %scan3A_256 = %scan3A_221 to %scan3A_223 step %scan3A_224  : i32 {
        %add3A_257 = arith.constant 54 : i32
        %add3A_258 = arith.addi %add3A_257, %scan3A_256 : i32
        %mul3A_259 = arith.constant 128 : i32
        %mul3A_260 = arith.muli %scan3A_256, %mul3A_259 : i32
        %dma_start3A = arith.constant 1 : i32
        %dma_start3A_261 = arith.constant 0 : i32
        %dma_start3A_262 = arith.constant 0 : i32
        %dma_start3A_263 = tpu.memref_slice %arg7[%dma_start3A, %dma_start3A_261, %dma_start3A_262] : memref<2x2304x16xf32, #tpu.memory_space<vmem>> -> memref<1x2304x16xf32, #tpu.memory_space<vmem>>
        %dma_start3A_264 = tpu.memref_squeeze %dma_start3A_263 : memref<1x2304x16xf32, #tpu.memory_space<vmem>> -> memref<2304x16xf32, #tpu.memory_space<vmem>>
        %dma_start3A_265 = arith.constant 0 : i32
        %dma_start3A_266 = tpu.memref_slice %dma_start3A_264[%mul3A_260, %dma_start3A_265] : memref<2304x16xf32, #tpu.memory_space<vmem>> -> memref<128x16xf32, #tpu.memory_space<vmem>>
        %dma_start3A_267 = arith.constant 0 : i32
        %dma_start3A_268 = tpu.memref_slice %arg6[%add3A_258, %dma_start3A_267] : memref<72x128xi32, #tpu.memory_space<vmem>> -> memref<1x128xi32, #tpu.memory_space<vmem>>
        %dma_start3A_269 = tpu.memref_squeeze %dma_start3A_268 : memref<1x128xi32, #tpu.memory_space<vmem>> -> memref<128xi32, #tpu.memory_space<vmem>>
        %dma_start3A_270 = arith.constant 0 : i32
        %dma_start3A_271 = arith.constant 0 : i32
        %dma_start3A_272 = tpu.memref_slice %arg3[%add3A_56, %dma_start3A_270, %dma_start3A_271] : memref<768x9216x16xf32, #tpu.memory_space<hbm>> -> memref<1x9216x16xf32, #tpu.memory_space<hbm>>
        %dma_start3A_273 = tpu.memref_squeeze %dma_start3A_272 : memref<1x9216x16xf32, #tpu.memory_space<hbm>> -> memref<9216x16xf32, #tpu.memory_space<hbm>>
        %dma_start3A_274 = arith.constant 0 : i32
        %dma_start3A_275 = arith.constant 0 : i32
        %dma_start3A_276 = tpu.memref_slice %dma_start3A_273[%dma_start3A_274, %dma_start3A_275] : memref<9216x16xf32, #tpu.memory_space<hbm>> -> memref<9216x16xf32, #tpu.memory_space<hbm>>
        tpu.enqueue_indirect_dma source(%dma_start3A_276 : memref<9216x16xf32, #tpu.memory_space<hbm>>) target(%dma_start3A_266 : memref<128x16xf32, #tpu.memory_space<vmem>>) offsets(%dma_start3A_269 : memref<128xi32, #tpu.memory_space<vmem>>) semaphore(%arg8 : memref<!tpu.dma_semaphore, #tpu.memory_space<semaphore_mem>>)
      }
      %scan3A_225 = arith.constant 18 : i32
      %dma_wait3A_226 = arith.constant 0 : i32
      %dma_wait3A_227 = arith.constant 1 : i32
      %dma_wait3A_228 = arith.constant 0 : i32
      %dma_wait3A_229 = arith.constant 0 : i32
      %dma_wait3A_230 = tpu.memref_slice %arg7[%dma_wait3A_227, %dma_wait3A_228, %dma_wait3A_229] : memref<2x2304x16xf32, #tpu.memory_space<vmem>> -> memref<1x2304x16xf32, #tpu.memory_space<vmem>>
      %dma_wait3A_231 = tpu.memref_squeeze %dma_wait3A_230 : memref<1x2304x16xf32, #tpu.memory_space<vmem>> -> memref<2304x16xf32, #tpu.memory_space<vmem>>
      %dma_wait3A_232 = arith.constant 0 : i32
      %dma_wait3A_233 = arith.constant 0 : i32
      %dma_wait3A_234 = tpu.memref_slice %arg2[%dma_wait3A_226, %dma_wait3A_232, %dma_wait3A_233] : memref<768x9216x16xf32, #tpu.memory_space<hbm>> -> memref<1x9216x16xf32, #tpu.memory_space<hbm>>
      %dma_wait3A_235 = tpu.memref_squeeze %dma_wait3A_234 : memref<1x9216x16xf32, #tpu.memory_space<hbm>> -> memref<9216x16xf32, #tpu.memory_space<hbm>>
      %dma_wait3A_236 = arith.constant 0 : i32
      %dma_wait3A_237 = arith.constant 0 : i32
      %dma_wait3A_238 = tpu.memref_slice %dma_wait3A_235[%dma_wait3A_236, %dma_wait3A_237] : memref<9216x16xf32, #tpu.memory_space<hbm>> -> memref<2304x16xf32, #tpu.memory_space<hbm>>
      %dma_wait3A_239 = arith.constant 0 : i32
      %dma_wait3A_240 = arith.constant 0 : i32
      %dma_wait3A_241 = tpu.memref_slice %arg7[%dma_wait3A_227, %dma_wait3A_239, %dma_wait3A_240] : memref<2x2304x16xf32, #tpu.memory_space<vmem>> -> memref<1x2304x16xf32, #tpu.memory_space<vmem>>
      %dma_wait3A_242 = tpu.memref_squeeze %dma_wait3A_241 : memref<1x2304x16xf32, #tpu.memory_space<vmem>> -> memref<2304x16xf32, #tpu.memory_space<vmem>>
      %dma_wait3A_243 = arith.constant 0 : i32
      %dma_wait3A_244 = arith.constant 0 : i32
      %dma_wait3A_245 = tpu.memref_slice %arg2[%dma_wait3A_226, %dma_wait3A_243, %dma_wait3A_244] : memref<768x9216x16xf32, #tpu.memory_space<hbm>> -> memref<1x9216x16xf32, #tpu.memory_space<hbm>>
      %dma_wait3A_246 = tpu.memref_squeeze %dma_wait3A_245 : memref<1x9216x16xf32, #tpu.memory_space<hbm>> -> memref<9216x16xf32, #tpu.memory_space<hbm>>
      %dma_wait3A_247 = arith.constant 0 : i32
      %dma_wait3A_248 = arith.constant 0 : i32
      %dma_wait3A_249 = tpu.memref_slice %dma_wait3A_246[%dma_wait3A_247, %dma_wait3A_248] : memref<9216x16xf32, #tpu.memory_space<hbm>> -> memref<2304x16xf32, #tpu.memory_space<hbm>>
      tpu.wait_dma2 semaphore(%arg8 : memref<!tpu.dma_semaphore, #tpu.memory_space<semaphore_mem>>) src(%dma_wait3A_249 : memref<2304x16xf32, #tpu.memory_space<hbm>>) dst(%dma_wait3A_242 : memref<2304x16xf32, #tpu.memory_space<vmem>>)
      %scan3A_250 = arith.constant 0 : i32
      %scan3A_251 = arith.constant 0 : i32
      %scan3A_252 = arith.constant 18 : i32
      %scan3A_253 = arith.addi %scan3A_251, %scan3A_252 : i32
      %scan3A_254 = arith.constant 1 : i32
      scf.for %scan3A_256 = %scan3A_251 to %scan3A_253 step %scan3A_254  : i32 {
        %mul3A_257 = arith.constant 128 : i32
        %mul3A_258 = arith.muli %scan3A_256, %mul3A_257 : i32
        %add3A_259 = arith.constant 54 : i32
        %add3A_260 = arith.addi %add3A_259, %scan3A_256 : i32
        %dma_start3A = arith.constant 1 : i32
        %dma_start3A_261 = arith.constant 0 : i32
        %dma_start3A_262 = arith.constant 0 : i32
        %dma_start3A_263 = tpu.memref_slice %arg7[%dma_start3A, %dma_start3A_261, %dma_start3A_262] : memref<2x2304x16xf32, #tpu.memory_space<vmem>> -> memref<1x2304x16xf32, #tpu.memory_space<vmem>>
        %dma_start3A_264 = tpu.memref_squeeze %dma_start3A_263 : memref<1x2304x16xf32, #tpu.memory_space<vmem>> -> memref<2304x16xf32, #tpu.memory_space<vmem>>
        %dma_start3A_265 = arith.constant 0 : i32
        %dma_start3A_266 = tpu.memref_slice %dma_start3A_264[%mul3A_258, %dma_start3A_265] : memref<2304x16xf32, #tpu.memory_space<vmem>> -> memref<128x16xf32, #tpu.memory_space<vmem>>
        %dma_start3A_267 = arith.constant 0 : i32
        %dma_start3A_268 = tpu.memref_slice %arg6[%add3A_260, %dma_start3A_267] : memref<72x128xi32, #tpu.memory_space<vmem>> -> memref<1x128xi32, #tpu.memory_space<vmem>>
        %dma_start3A_269 = tpu.memref_squeeze %dma_start3A_268 : memref<1x128xi32, #tpu.memory_space<vmem>> -> memref<128xi32, #tpu.memory_space<vmem>>
        %dma_start3A_270 = arith.constant 0 : i32
        %dma_start3A_271 = arith.constant 0 : i32
        %dma_start3A_272 = tpu.memref_slice %arg5[%add3A_56, %dma_start3A_270, %dma_start3A_271] : memref<768x9216x16xf32, #tpu.memory_space<hbm>> -> memref<1x9216x16xf32, #tpu.memory_space<hbm>>
        %dma_start3A_273 = tpu.memref_squeeze %dma_start3A_272 : memref<1x9216x16xf32, #tpu.memory_space<hbm>> -> memref<9216x16xf32, #tpu.memory_space<hbm>>
        %dma_start3A_274 = arith.constant 0 : i32
        %dma_start3A_275 = arith.constant 0 : i32
        %dma_start3A_276 = tpu.memref_slice %dma_start3A_273[%dma_start3A_274, %dma_start3A_275] : memref<9216x16xf32, #tpu.memory_space<hbm>> -> memref<9216x16xf32, #tpu.memory_space<hbm>>
        tpu.enqueue_indirect_dma source(%dma_start3A_266 : memref<128x16xf32, #tpu.memory_space<vmem>>) target(%dma_start3A_276 : memref<9216x16xf32, #tpu.memory_space<hbm>>) offsets(%dma_start3A_269 : memref<128xi32, #tpu.memory_space<vmem>>) semaphore(%arg10 : memref<!tpu.dma_semaphore, #tpu.memory_space<semaphore_mem>>)
      }
      %scan3A_255 = arith.constant 18 : i32
    }
    %scan3A_7 = arith.constant 24 : i32
    %dma_wait3A = arith.constant 0 : i32
    %dma_wait3A_8 = arith.constant 0 : i32
    %dma_wait3A_9 = arith.constant 0 : i32
    %dma_wait3A_10 = arith.constant 0 : i32
    %dma_wait3A_11 = tpu.memref_slice %arg7[%dma_wait3A, %dma_wait3A_9, %dma_wait3A_10] : memref<2x2304x16xf32, #tpu.memory_space<vmem>> -> memref<1x2304x16xf32, #tpu.memory_space<vmem>>
    %dma_wait3A_12 = tpu.memref_squeeze %dma_wait3A_11 : memref<1x2304x16xf32, #tpu.memory_space<vmem>> -> memref<2304x16xf32, #tpu.memory_space<vmem>>
    %dma_wait3A_13 = arith.constant 0 : i32
    %dma_wait3A_14 = arith.constant 0 : i32
    %dma_wait3A_15 = tpu.memref_slice %arg5[%dma_wait3A_8, %dma_wait3A_13, %dma_wait3A_14] : memref<768x9216x16xf32, #tpu.memory_space<hbm>> -> memref<1x9216x16xf32, #tpu.memory_space<hbm>>
    %dma_wait3A_16 = tpu.memref_squeeze %dma_wait3A_15 : memref<1x9216x16xf32, #tpu.memory_space<hbm>> -> memref<9216x16xf32, #tpu.memory_space<hbm>>
    %dma_wait3A_17 = arith.constant 0 : i32
    %dma_wait3A_18 = arith.constant 0 : i32
    %dma_wait3A_19 = tpu.memref_slice %dma_wait3A_16[%dma_wait3A_17, %dma_wait3A_18] : memref<9216x16xf32, #tpu.memory_space<hbm>> -> memref<2304x16xf32, #tpu.memory_space<hbm>>
    %dma_wait3A_20 = arith.constant 0 : i32
    %dma_wait3A_21 = arith.constant 0 : i32
    %dma_wait3A_22 = tpu.memref_slice %arg5[%dma_wait3A_8, %dma_wait3A_20, %dma_wait3A_21] : memref<768x9216x16xf32, #tpu.memory_space<hbm>> -> memref<1x9216x16xf32, #tpu.memory_space<hbm>>
    %dma_wait3A_23 = tpu.memref_squeeze %dma_wait3A_22 : memref<1x9216x16xf32, #tpu.memory_space<hbm>> -> memref<9216x16xf32, #tpu.memory_space<hbm>>
    %dma_wait3A_24 = arith.constant 0 : i32
    %dma_wait3A_25 = arith.constant 0 : i32
    %dma_wait3A_26 = tpu.memref_slice %dma_wait3A_23[%dma_wait3A_24, %dma_wait3A_25] : memref<9216x16xf32, #tpu.memory_space<hbm>> -> memref<2304x16xf32, #tpu.memory_space<hbm>>
    %dma_wait3A_27 = arith.constant 0 : i32
    %dma_wait3A_28 = arith.constant 0 : i32
    %dma_wait3A_29 = tpu.memref_slice %arg7[%dma_wait3A, %dma_wait3A_27, %dma_wait3A_28] : memref<2x2304x16xf32, #tpu.memory_space<vmem>> -> memref<1x2304x16xf32, #tpu.memory_space<vmem>>
    %dma_wait3A_30 = tpu.memref_squeeze %dma_wait3A_29 : memref<1x2304x16xf32, #tpu.memory_space<vmem>> -> memref<2304x16xf32, #tpu.memory_space<vmem>>
    tpu.wait_dma2 semaphore(%arg9 : memref<!tpu.dma_semaphore, #tpu.memory_space<semaphore_mem>>) src(%dma_wait3A_30 : memref<2304x16xf32, #tpu.memory_space<vmem>>) dst(%dma_wait3A_26 : memref<2304x16xf32, #tpu.memory_space<hbm>>)
    %dma_wait3A_31 = arith.constant 1 : i32
    %dma_wait3A_32 = arith.constant 0 : i32
    %dma_wait3A_33 = arith.constant 0 : i32
    %dma_wait3A_34 = arith.constant 0 : i32
    %dma_wait3A_35 = tpu.memref_slice %arg7[%dma_wait3A_31, %dma_wait3A_33, %dma_wait3A_34] : memref<2x2304x16xf32, #tpu.memory_space<vmem>> -> memref<1x2304x16xf32, #tpu.memory_space<vmem>>
    %dma_wait3A_36 = tpu.memref_squeeze %dma_wait3A_35 : memref<1x2304x16xf32, #tpu.memory_space<vmem>> -> memref<2304x16xf32, #tpu.memory_space<vmem>>
    %dma_wait3A_37 = arith.constant 0 : i32
    %dma_wait3A_38 = arith.constant 0 : i32
    %dma_wait3A_39 = tpu.memref_slice %arg5[%dma_wait3A_32, %dma_wait3A_37, %dma_wait3A_38] : memref<768x9216x16xf32, #tpu.memory_space<hbm>> -> memref<1x9216x16xf32, #tpu.memory_space<hbm>>
    %dma_wait3A_40 = tpu.memref_squeeze %dma_wait3A_39 : memref<1x9216x16xf32, #tpu.memory_space<hbm>> -> memref<9216x16xf32, #tpu.memory_space<hbm>>
    %dma_wait3A_41 = arith.constant 0 : i32
    %dma_wait3A_42 = arith.constant 0 : i32
    %dma_wait3A_43 = tpu.memref_slice %dma_wait3A_40[%dma_wait3A_41, %dma_wait3A_42] : memref<9216x16xf32, #tpu.memory_space<hbm>> -> memref<2304x16xf32, #tpu.memory_space<hbm>>
    %dma_wait3A_44 = arith.constant 0 : i32
    %dma_wait3A_45 = arith.constant 0 : i32
    %dma_wait3A_46 = tpu.memref_slice %arg5[%dma_wait3A_32, %dma_wait3A_44, %dma_wait3A_45] : memref<768x9216x16xf32, #tpu.memory_space<hbm>> -> memref<1x9216x16xf32, #tpu.memory_space<hbm>>
    %dma_wait3A_47 = tpu.memref_squeeze %dma_wait3A_46 : memref<1x9216x16xf32, #tpu.memory_space<hbm>> -> memref<9216x16xf32, #tpu.memory_space<hbm>>
    %dma_wait3A_48 = arith.constant 0 : i32
    %dma_wait3A_49 = arith.constant 0 : i32
    %dma_wait3A_50 = tpu.memref_slice %dma_wait3A_47[%dma_wait3A_48, %dma_wait3A_49] : memref<9216x16xf32, #tpu.memory_space<hbm>> -> memref<2304x16xf32, #tpu.memory_space<hbm>>
    %dma_wait3A_51 = arith.constant 0 : i32
    %dma_wait3A_52 = arith.constant 0 : i32
    %dma_wait3A_53 = tpu.memref_slice %arg7[%dma_wait3A_31, %dma_wait3A_51, %dma_wait3A_52] : memref<2x2304x16xf32, #tpu.memory_space<vmem>> -> memref<1x2304x16xf32, #tpu.memory_space<vmem>>
    %dma_wait3A_54 = tpu.memref_squeeze %dma_wait3A_53 : memref<1x2304x16xf32, #tpu.memory_space<vmem>> -> memref<2304x16xf32, #tpu.memory_space<vmem>>
    tpu.wait_dma2 semaphore(%arg10 : memref<!tpu.dma_semaphore, #tpu.memory_space<semaphore_mem>>) src(%dma_wait3A_54 : memref<2304x16xf32, #tpu.memory_space<vmem>>) dst(%dma_wait3A_50 : memref<2304x16xf32, #tpu.memory_space<hbm>>)
    return
  }
}

</mosaic_0001>

<sc_bundles>
// kernel: kernel.3.cloned.1.call-start
scs
__scs_entry_jumppad:
0x0: {  	(pc) =	sbr.rel $0x88, $3  }
0x1: {  	(tag) =	ssettag $0x0;
	lr =	simm.s32 $0x1  }
0x2: {  	[smem:$0x3F9F] =	sst lr;
	_ =	strace $0xD0000000  }
0x3: {  	_ = 	snop  }
0x4: {  	_ = 	snop  }
0x5: {  	_ = 	snop  }
0x6: {  	_ = 	snop  }
0x7: {  	_ = 	snop  }
__scs_overlays_trampoline_lowered:
0x8: {  	[smem:$0x3FAE] =	sst s0  }
0x9: {  	[smem:$0x3FAF] =	sst s1  }
0xa: {  	[smem:$0x3FB0] =	sst s2  }
0xb: {  	[smem:$0x3FB1] =	sst s3  }
0xc: {  	[smem:$0x3FB2] =	sst s4  }
0xd: {  	[smem:$0x3FB3] =	sst s5  }
0xe: {  	[smem:$0x3FB4] =	sst s6  }
0xf: {  	[smem:$0x3FB5] =	sst s7  }
0x10: {  	[smem:$0x3FB6] =	sst s8  }
0x11: {  	[smem:$0x3FB7] =	sst s9;
	s0 =	simm.s32 @!p0 $0x0  }
0x12: {  	s1 =	sld [smem:$0x3F9D];
	s0 =	simm.s32 @p0 $0x1  }
0x13: {  	[smem:$0x3FB8] =	sst s0;
	s0 =	simm.s32 @!p1 $0x0  }
0x14: {  	s2 =	sld [smem:$0x3F9C];
	s0 =	simm.s32 @p1 $0x1  }
0x15: {  	[smem:$0x3FB9] =	sst s0;
	s0 =	simm.s32 @!p2 $0x0  }
0x16: {  	s3 =	sld [smem:$0x3FDB];
	s0 =	simm.s32 @p2 $0x1  }
0x17: {  	s4 =	simm.s32 $0x1BF5;
	[smem:$0x3FBB] =	sst s0  }
0x18: {  	s0 =	sld [smem:$0x3F9E];
	_ =	swait.ge [sflag:s4], $0x0  }
0x19: {  	s7 =	sld [smem:$0x3F9F]  }
0x1a: {  	s8 =	sadd.s32 $0xFFFFE003, lr  }
0x1b: {  	s9 =	sadd.s32 $0xFFFFFEF7, lr;
	s5 =	simm.s32 $0xFFFFFFFF;
	p2 =	slt.u32 s8, $0xFFFFF086  }
0x1c: {  	p1 =	slt.u32 s9, $0xF7A;
	s5 =	simm.s32 @!p2 $0x0  }
0x1d: {  	s5 =	simm.s32 @p1 $0x1;
	p0 =	seq.s32 s7, s2  }
0x1e: {  	s7 =	smul.u32 @!p0 $0xF7A, s2;
	p2 =	seq.s32 @!p0 s5, $0x0  }
0x1f: {  	s9 =	smul.u32 $0xF7A, s1;
	s8 =	simm.s32 @!p0 $0x1BF5;
	p2 =	por !p2, p0  }
0x20: {  	[sflag:s8] =	ssyncset.s32 @!p0 $0xFFFFF086;
	s6 =	sadd.s32 @!p0 s3, s7;
	s7 =	simm.s32 @!p0 $0x108  }
0x21: {  	s3 =	sadd.s32 s3, s9;
	s6 =	sadd.s32 @!p0 $0x88, s6;
	s7 =	simm.s32 @p2 $0x1082  }
0x22: {  	[simem:s7], [sflag:s8] =	dma.local @!p0 [hbm:s6], $0xF7A  }
0x23: {  	s9 =	sor.u32 $0xD0000000, s2;
	s6 =	simm.s32 $0x108;
	_ =	swait.ge @!p0 [sflag:s8], $0x0  }
0x24: {  	s3 =	sadd.s32 $0x88, s3;
	s6 =	simm.s32 @!p1 $0x1082;
	[sflag:s4] =	ssyncset.s32 $0xFFFFF086  }
0x25: {  	[simem:s6], [sflag:s4] =	dma.local [hbm:s3], $0xF7A  }
0x26: {  	[smem:$0x3F9F] =	sst s1;
	(tag) =	ssettag s2;
	_ =	strace s9  }
0x27: {  	s1 =	sld [smem:$0x3FAF]  }
0x28: {  	s2 =	sld [smem:$0x3FB0]  }
0x29: {  	s4 =	sld [smem:$0x3FB2]  }
0x2a: {  	p0 =	seq.s32 s5, $0x0;
	s5 =	sld [smem:$0x3FB3]  }
0x2b: {  	s6 =	sld [smem:$0x3FB4]  }
0x2c: {  	s7 =	sld [smem:$0x3FB5]  }
0x2d: {  	s3 =	simm.s32 $0x108;
	s8 =	sld [smem:$0x3FB6]  }
0x2e: {  	s3 =	simm.s32 @!p0 $0x1082;
	s9 =	sld [smem:$0x3FB7]  }
0x2f: {  	lr =	sadd.s32 s0, s3;
	s0 =	sld [smem:$0x3FAE]  }
0x30: {  	s3 =	sld [smem:$0x3FB1]  }
0x31: {  	[smem:$0x3FBA] =	sst s10  }
0x32: {  	s10 =	sld [smem:$0x3FB8];
	_ =	sdelay $0x3  }
0x33: {  	p0 =	seq.s32 s10, $0x1;
	s10 =	sld [smem:$0x3FBA];
	_ =	sdelay $0x3  }
0x34: {  	[smem:$0x3FBA] =	sst s10  }
0x35: {  	s10 =	sld [smem:$0x3FB9];
	_ =	sdelay $0x3  }
0x36: {  	p1 =	seq.s32 s10, $0x1;
	s10 =	sld [smem:$0x3FBA];
	_ =	sdelay $0x3  }
0x37: {  	[smem:$0x3FBA] =	sst s10  }
0x38: {  	s10 =	sld [smem:$0x3FBB]  }
0x39: {  	_ = 	snop;
	(pc) =	sbr.ind lr, $3  }
0x3a: {  	_ = 	snop  }
0x3b: {  	_ = 	snop  }
0x3c: {  	p2 =	seq.s32 s10, $0x1;
	s10 =	sld [smem:$0x3FBA]  }
0x3d: {  	_ =	shalt  }
0x3e: {  	_ =	shalt  }
0x3f: {  	_ =	shalt  }
0x40: {  	_ =	shalt  }
0x41: {  	_ =	shalt  }
0x42: {  	_ =	shalt  }
0x43: {  	_ =	shalt  }
0x44: {  	_ =	shalt  }
0x45: {  	_ =	shalt  }
0x46: {  	_ =	shalt  }
0x47: {  	_ =	shalt  }
0x48: {  	_ =	shalt  }
0x49: {  	_ =	shalt  }
0x4a: {  	_ =	shalt  }
0x4b: {  	_ =	shalt  }
0x4c: {  	_ =	shalt  }
0x4d: {  	_ =	shalt  }
0x4e: {  	_ =	shalt  }
0x4f: {  	_ =	shalt  }
0x50: {  	_ =	shalt  }
0x51: {  	_ =	shalt  }
0x52: {  	_ =	shalt  }
0x53: {  	_ =	shalt  }
0x54: {  	_ =	shalt  }
0x55: {  	_ =	shalt  }
0x56: {  	_ =	shalt  }
0x57: {  	_ =	shalt  }
0x58: {  	_ =	shalt  }
0x59: {  	_ =	shalt  }
0x5a: {  	_ =	shalt  }
0x5b: {  	_ =	shalt  }
0x5c: {  	_ =	shalt  }
0x5d: {  	_ =	shalt  }
0x5e: {  	_ =	shalt  }
0x5f: {  	_ =	shalt  }
0x60: {  	_ =	shalt  }
0x61: {  	_ =	shalt  }
0x62: {  	_ =	shalt  }
0x63: {  	_ =	shalt  }
0x64: {  	_ =	shalt  }
0x65: {  	_ =	shalt  }
0x66: {  	_ =	shalt  }
0x67: {  	_ =	shalt  }
0x68: {  	_ =	shalt  }
0x69: {  	_ =	shalt  }
0x6a: {  	_ =	shalt  }
0x6b: {  	_ =	shalt  }
0x6c: {  	_ =	shalt  }
0x6d: {  	_ =	shalt  }
0x6e: {  	_ =	shalt  }
0x6f: {  	_ =	shalt  }
0x70: {  	_ =	shalt  }
0x71: {  	_ =	shalt  }
0x72: {  	_ =	shalt  }
0x73: {  	_ =	shalt  }
0x74: {  	_ =	shalt  }
0x75: {  	_ =	shalt  }
0x76: {  	_ =	shalt  }
0x77: {  	_ =	shalt  }
0x78: {  	_ =	shalt  }
0x79: {  	_ =	shalt  }
0x7a: {  	_ =	shalt  }
0x7b: {  	_ =	shalt  }
0x7c: {  	_ =	shalt  }
0x7d: {  	_ =	shalt  }
0x7e: {  	_ =	shalt  }
0x7f: {  	_ =	shalt  }
0x80: {  	_ =	shalt  }
0x81: {  	_ =	shalt  }
0x82: {  	_ =	shalt  }
0x83: {  	_ =	shalt  }
0x84: {  	_ =	shalt  }
0x85: {  	_ =	shalt  }
0x86: {  	_ =	shalt  }
0x87: {  	_ =	shalt  }
.Lfunc_end0:
.L_simem_size_0:
called_computation_lowered:
.L_overlay_start_0:
0x88: {  	s2 =	sld [smem:$0x3FD9]  }
0x89: {  	s3 =	sld [smem:$0x3FFE];
	_ =	sdelay $0x1  }
0x8a: {  	s1 =	srdreg.scid  }
0x8b: {  	s0 =	sand.u32 $0x1, s1  }
0x8c: {  	s17 =	sshll.u32 s0, $0xA;
	s2 =	sadd.s32 s3, s2  }
0x8d: {  	s2 =	sadd.s32 s2, s17  }
0x8e: {  	[smem:$0x3FC6] =	sst s2  }
0x8f: {  	_ = 	snop  }
0x90: {  	s2 =	sld [smem:$0x3FD0];
	(tm) =	ssettm $0x1  }
0x91: {  	s18 =	sld [smem:$0x3FFB];
	_ =	sdelay $0x3  }
0x92: {  	_ =	strace s18  }
0x93: {  	s3 =	sld [smem:$0x3FFC];
	_ =	sdelay $0x3  }
0x94: {  	_ =	strace s3  }
0x95: {  	s3 =	sld [smem:$0x3FFD];
	_ =	sdelay $0x3  }
0x96: {  	_ =	strace s3  }
0x97: {  	_ =	strace $0x8FFFFFFF  }
0x98: {  	s19 =	sld [smem:$0x3FDB];
	_ =	sdelay $0x1  }
0x99: {  	s4 =	simm.s32 $_scs_section_size  }
0x9a: {  	s5 =	simm.s32 $_size__tile_overlayer_lowered;
	s6 =	simm.s32 $_tile_overlayer_lowered  }
0x9b: {  	s22 =	simm.s32 $0x1BFF;
	s21 =	sshll.u32 s6, $0x1;
	s3 =	sadd.s32 s4, s19  }
0x9c: {  	s7 =	simm.s32 $0x0;
	s20 =	sshll.u32 s5, $0x1;
	s5 =	sadd.s32 s21, s3  }
0x9d: {  	[timem:s7], [sflag:s22] =	dma.local [hbm:s5], s20  }
0x9e: {  	_ =	swait.ge [sflag:s22], s20  }
0x9f: {  	s4 =	ssub.s32 $0x0, s20;
	[sflag:s22] =	ssyncset.done $0x0  }
0xa0: {  	[sflag:s22] =	ssyncadd.s32 s4;
	_ =	sdelay $0x1  }
0xa1: {  	s23 =	simm.s32 $0x1B8B  }
0xa2: {  	_ =	swait.ge [sflag:s23], $0x1  }
0xa3: {  	[sflag:s23] =	ssyncset.done $0x0  }
0xa4: {  	s25 =	simm.s32 $0x1B8E;
	s24 =	sld [smem:$0x3FFE];
	[sflag:s23] =	ssyncadd.s32 $0xFFFFFFFF  }
0xa5: {  	s26 =	simm.s32 $execute0_lowered;
	[smem:$0x3FD2] =	sst s25  }
0xa6: {  	s5 =	sshll.u32 s26, $0x1;
	_ =	strace $0x80000046;
	[dreg:$0x1] =	wrdreg $0xFFFFFFFF  }
0xa7: {  	s28 =	simm.s32 $_size_execute0_lowered;
	s3 =	sadd.s32 s3, s5;
	[dreg:$0x0] =	wrdreg $0x0  }
0xa8: {  	s5 =	sshll.u32 s28, $0x1;
	[dreg:$0x2] =	wrdreg s3  }
0xa9: {  	[dreg:$0x3] =	wrdreg s5  }
0xaa: {  	[dreg:$0x4] =	wrdreg $0xC0  }
0xab: {  	_ =	task [dreg:s7], $0x5FFFF  }
0xac: {  	[dreg:$0x1] =	wrdreg $0xFFFFFFFF  }
0xad: {  	[dreg:$0x0] =	wrdreg $0x60  }
0xae: {  	[dreg:$0x2] =	wrdreg s2  }
0xaf: {  	[dreg:$0x3] =	wrdreg s24  }
0xb0: {  	[dreg:$0x4] =	wrdreg $0x9  }
0xb1: {  	_ =	task.clear_ibuf [dreg:s7], $0x5FFFF;
	_ =	strace $0x90000046  }
0xb2: {  	s29 =	simm.s32 $0x9;
	_ =	strace $0x80000048  }
0xb3: {  	_ =	swait.ge [sflag:s29], $0x1  }
0xb4: {  	[sflag:s29] =	ssyncadd.s32 $0xFFFFFFFF  }
0xb5: {  	_ =	strace $0x90000048  }
0xb6: {  	_ =	sfence  }
0xb7: {  	s30 =	sld [smem:$0x0];
	_ =	sdelay $0x2  }
0xb8: {  	s31 =	sshll.u32 s1, $0xD;
	s1 =	sshrl.u32 s1, $0x2  }
0xb9: {  	s3 =	sand.u32 $0x4000, s31;
	s1 =	sadd.s32 s1, s30  }
0xba: {  	s0 =	sor.u32 s3, s0;
	s1 =	sshll.u32 s1, $0x11  }
0xbb: {  	s0 =	sor.u32 s1, s0  }
0xbc: {  	s0 =	sadd.s32 $0x8F2B, s0  }
0xbd: {  	[sflag:s0] =	ssyncadd.remote.s32 $0x1  }
0xbe: {  	_ =	sfence.sel $0xFFFF  }
0xbf: {  	[dreg:$0x0] =	wrdreg $0xFFFFFFFF;
	(pc) =	sbr.abs _section_cstart, $3  }
0xc0: {  	[dreg:$0x1] =	wrdreg $0xFFFFFFFF  }
0xc1: {  	_ =	task.clear_ibuf [dreg:s7], $0x2FFFF;
	_ =	strace $0x9FFFFFFF  }
0xc2: {  	(tm) =	ssettm $0x7FFFFFFF  }
0xc3: {  	_ =	shalt  }
tec
execute0_lowered:
.L_overlay_start_1:
0x0: {  	(tag) =	ssettag $0x1  }
0x1: {  	s0 =	rddreg [dreg:$0x0];
	s3 =	stileid.u32  }
0x2: {  	s1 =	srdreg.scid;
	s2 =	rddreg [dreg:$0x1];
	s5 =	simm.s32 $0x0  }
0x3: {  	s3 =	smul.u32 $0xD8000, s3;
	s1 =	sand.u32 $0x1, s1;
	[smem:$0x7FF] =	sst s5  }
0x4: {  	s4 =	smul.u32 $0x6C000, s1;
	_ =	strace $0x80000047;
	s1 =	ssub.s32 $0x2, s1  }
0x5: {  	s30 =	sadd.s32 s3, s2;
	s2 =	sadd.s32 $0xD80600, s2;
	s0 =	sadd.s32 s3, s0  }
0x6: {  	s5 =	sadd.s32 s4, s30;
	[dreg:$0x9] =	wrdreg s2;
	s0 =	sadd.s32 s4, s0  }
0x7: {  	s31 =	sshrl.u32 s1, $0x1;
	s6 =	sadd.s32 $0x600, s5;
	[dreg:$0x5] =	wrdreg s0  }
0x8: {  	s1 =	ssub.s32 s1, s31;
	s5 =	sadd.s32 $0xD80C00, s5;
	[dreg:$0x3] =	wrdreg s6  }
0x9: {  	s1 =	smax.u32 s1, $0x1;
	[dreg:$0x4] =	wrdreg s5  }
0xa: {  	s0 =	simm.s32 $0x0;
	[dreg:$0xa] =	wrdreg s1;
	s6 =	simm.s32 $0x80  }
.LBB2_1:
0xb: {  	[dreg:$0xb] =	wrdreg s0  }
0xc: {  	s24 =	simm.s32 $0x0;
	s20 =	rddreg [dreg:$0x9];
	s4 =	simm.s32 $0x4  }
0xd: {  	[tilespmem:s24], [sflag:$0x4] =	stream.linear.gather [hbm4b:s20+s24], $0x2400, $0x38;
	[tilespmem:$0x14400] =	vst v63  }
0xe: {  	p0 =	por $0x1, $0x1;
	_ =	swait.ge [sflag:s4], $0x2400  }
0xf: {  	p0 =	por p0, p0;
	[sflag:s4] =	ssyncset.done $0x0  }
0x10: {  	s20 =	simm.s32 @!p0 $0x2;
	[sflag:s4] =	ssyncadd.s32 $0xFFFFDC00  }
0x11: {  	_ =	swait.ge @!p0 [sflag:s20], $0x9000  }
0x12: {  	s22 =	rddreg [dreg:$0x5];
	[sflag:s20] =	ssyncset.done @!p0 $0x0  }
0x13: {  	s5 =	simm.s32 $0x2400;
	[sflag:s20] =	ssyncadd.s32 @!p0 $0xFFFF7000;
	s20 =	sadd.s32 $0x0, s22  }
0x14: {  	[tilespmem:s5], [sflag:$0x1] =	stream.indirect.gather [hbm4b:s20+s6], $0x10, s24, s6, $0xb8;
	[tilespmem:$0x14400] =	vst v63  }
0x15: {  	s7 =	simm.s32 $0x2C00  }
0x16: {  	[tilespmem:s7], [sflag:$0x1] =	stream.indirect.gather [hbm4b:s20+s6], $0x10, s6, s6, $0xb8;
	[tilespmem:$0x14400] =	vst v63  }
0x17: {  	s2 =	simm.s32 $0x100;
	s8 =	simm.s32 $0x3400  }
0x18: {  	[tilespmem:s8], [sflag:$0x1] =	stream.indirect.gather [hbm4b:s20+s6], $0x10, s2, s6, $0xb8;
	[tilespmem:$0x14400] =	vst v63  }
0x19: {  	s15 =	simm.s32 $0x180;
	s10 =	simm.s32 $0x3C00  }
0x1a: {  	[tilespmem:s10], [sflag:$0x1] =	stream.indirect.gather [hbm4b:s20+s6], $0x10, s15, s6, $0xb8;
	[tilespmem:$0x14400] =	vst v63  }
0x1b: {  	s25 =	simm.s32 $0x200;
	s13 =	simm.s32 $0x4400  }
0x1c: {  	[tilespmem:s13], [sflag:$0x1] =	stream.indirect.gather [hbm4b:s20+s6], $0x10, s25, s6, $0xb8;
	[tilespmem:$0x14400] =	vst v63  }
0x1d: {  	s3 =	simm.s32 $0x280;
	s14 =	simm.s32 $0x4C00  }
0x1e: {  	[tilespmem:s14], [sflag:$0x1] =	stream.indirect.gather [hbm4b:s20+s6], $0x10, s3, s6, $0xb8;
	[tilespmem:$0x14400] =	vst v63  }
0x1f: {  	s19 =	simm.s32 $0x300;
	s17 =	simm.s32 $0x5400  }
0x20: {  	[tilespmem:s17], [sflag:$0x1] =	stream.indirect.gather [hbm4b:s20+s6], $0x10, s19, s6, $0xb8;
	[tilespmem:$0x14400] =	vst v63  }
0x21: {  	s18 =	simm.s32 $0x5C00;
	s5 =	simm.s32 $0x380  }
0x22: {  	[tilespmem:s18], [sflag:$0x1] =	stream.indirect.gather [hbm4b:s20+s6], $0x10, s5, s6, $0xb8;
	[tilespmem:$0x14400] =	vst v63  }
0x23: {  	s22 =	simm.s32 $0x6400;
	s13 =	simm.s32 $0x400  }
0x24: {  	[tilespmem:s22], [sflag:$0x1] =	stream.indirect.gather [hbm4b:s20+s6], $0x10, s13, s6, $0xb8;
	[tilespmem:$0x14400] =	vst v63  }
0x25: {  	s29 =	simm.s32 $0x6C00;
	s7 =	simm.s32 $0x480  }
0x26: {  	[tilespmem:s29], [sflag:$0x1] =	stream.indirect.gather [hbm4b:s20+s6], $0x10, s7, s6, $0xb8;
	[tilespmem:$0x14400] =	vst v63  }
0x27: {  	s31 =	simm.s32 $0x7400;
	s10 =	simm.s32 $0x500  }
0x28: {  	[tilespmem:s31], [sflag:$0x1] =	stream.indirect.gather [hbm4b:s20+s6], $0x10, s10, s6, $0xb8;
	[tilespmem:$0x14400] =	vst v63  }
0x29: {  	s1 =	simm.s32 $0x7C00;
	s14 =	simm.s32 $0x580  }
0x2a: {  	[tilespmem:s1], [sflag:$0x1] =	stream.indirect.gather [hbm4b:s20+s6], $0x10, s14, s6, $0xb8;
	[tilespmem:$0x14400] =	vst v63  }
0x2b: {  	s4 =	simm.s32 $0x8400;
	s18 =	simm.s32 $0x600  }
0x2c: {  	[tilespmem:s4], [sflag:$0x1] =	stream.indirect.gather [hbm4b:s20+s6], $0x10, s18, s6, $0xb8;
	[tilespmem:$0x14400] =	vst v63  }
0x2d: {  	s8 =	simm.s32 $0x8C00;
	s29 =	simm.s32 $0x680  }
0x2e: {  	[tilespmem:s8], [sflag:$0x1] =	stream.indirect.gather [hbm4b:s20+s6], $0x10, s29, s6, $0xb8;
	[tilespmem:$0x14400] =	vst v63  }
0x2f: {  	s22 =	simm.s32 $0x9400;
	s31 =	simm.s32 $0x700  }
0x30: {  	[tilespmem:s22], [sflag:$0x1] =	stream.indirect.gather [hbm4b:s20+s6], $0x10, s31, s6, $0xb8;
	[tilespmem:$0x14400] =	vst v63  }
0x31: {  	s1 =	simm.s32 $0x9C00;
	s4 =	simm.s32 $0x780  }
0x32: {  	[tilespmem:s1], [sflag:$0x1] =	stream.indirect.gather [hbm4b:s20+s6], $0x10, s4, s6, $0xb8;
	[tilespmem:$0x14400] =	vst v63  }
0x33: {  	s8 =	simm.s32 $0xA400;
	s1 =	simm.s32 $0x800  }
0x34: {  	[tilespmem:s8], [sflag:$0x1] =	stream.indirect.gather [hbm4b:s20+s6], $0x10, s1, s6, $0xb8;
	[tilespmem:$0x14400] =	vst v63  }
0x35: {  	s0 =	simm.s32 $0x1;
	s22 =	simm.s32 $0xAC00;
	s8 =	simm.s32 $0x880  }
0x36: {  	[tilespmem:s22], [sflag:$0x1] =	stream.indirect.gather [hbm4b:s20+s6], $0x10, s8, s6, $0xb8;
	[tilespmem:$0x14400] =	vst v63  }
0x37: {  	_ =	swait.ge [sflag:s0], $0x9000  }
0x38: {  	s22 =	rddreg [dreg:$0x4];
	[sflag:s0] =	ssyncset.done $0x0  }
0x39: {  	s9 =	simm.s32 $0x2400;
	[sflag:s0] =	ssyncadd.s32 $0xFFFF7000;
	s22 =	sadd.s32 $0x0, s22  }
0x3a: {  	[hbm4b:s22+s6] =	stream.indirect.scatter [tilespmem:s9], [sflag:$0x2], $0x10, s24, s6, $0xb8;
	[tilespmem:$0x14400] =	vst v63  }
0x3b: {  	s11 =	simm.s32 $0x2C00  }
0x3c: {  	[hbm4b:s22+s6] =	stream.indirect.scatter [tilespmem:s11], [sflag:$0x2], $0x10, s6, s6, $0xb8;
	[tilespmem:$0x14400] =	vst v63  }
0x3d: {  	s12 =	simm.s32 $0x3400  }
0x3e: {  	[hbm4b:s22+s6] =	stream.indirect.scatter [tilespmem:s12], [sflag:$0x2], $0x10, s2, s6, $0xb8;
	[tilespmem:$0x14400] =	vst v63  }
0x3f: {  	s16 =	simm.s32 $0x3C00  }
0x40: {  	[hbm4b:s22+s6] =	stream.indirect.scatter [tilespmem:s16], [sflag:$0x2], $0x10, s15, s6, $0xb8;
	[tilespmem:$0x14400] =	vst v63  }
0x41: {  	s21 =	simm.s32 $0x4400  }
0x42: {  	[hbm4b:s22+s6] =	stream.indirect.scatter [tilespmem:s21], [sflag:$0x2], $0x10, s25, s6, $0xb8;
	[tilespmem:$0x14400] =	vst v63  }
0x43: {  	s23 =	simm.s32 $0x4C00  }
0x44: {  	[hbm4b:s22+s6] =	stream.indirect.scatter [tilespmem:s23], [sflag:$0x2], $0x10, s3, s6, $0xb8;
	[tilespmem:$0x14400] =	vst v63  }
0x45: {  	s26 =	simm.s32 $0x5400  }
0x46: {  	[hbm4b:s22+s6] =	stream.indirect.scatter [tilespmem:s26], [sflag:$0x2], $0x10, s19, s6, $0xb8;
	[tilespmem:$0x14400] =	vst v63  }
0x47: {  	s28 =	simm.s32 $0x5C00  }
0x48: {  	[hbm4b:s22+s6] =	stream.indirect.scatter [tilespmem:s28], [sflag:$0x2], $0x10, s5, s6, $0xb8;
	[tilespmem:$0x14400] =	vst v63  }
0x49: {  	s30 =	simm.s32 $0x6400  }
0x4a: {  	[hbm4b:s22+s6] =	stream.indirect.scatter [tilespmem:s30], [sflag:$0x2], $0x10, s13, s6, $0xb8;
	[tilespmem:$0x14400] =	vst v63  }
0x4b: {  	s17 =	simm.s32 $0x6C00  }
0x4c: {  	[hbm4b:s22+s6] =	stream.indirect.scatter [tilespmem:s17], [sflag:$0x2], $0x10, s7, s6, $0xb8;
	[tilespmem:$0x14400] =	vst v63  }
0x4d: {  	s12 =	simm.s32 $0x7400  }
0x4e: {  	[hbm4b:s22+s6] =	stream.indirect.scatter [tilespmem:s12], [sflag:$0x2], $0x10, s10, s6, $0xb8;
	[tilespmem:$0x14400] =	vst v63  }
0x4f: {  	s13 =	simm.s32 $0x7C00  }
0x50: {  	[hbm4b:s22+s6] =	stream.indirect.scatter [tilespmem:s13], [sflag:$0x2], $0x10, s14, s6, $0xb8;
	[tilespmem:$0x14400] =	vst v63  }
0x51: {  	s15 =	simm.s32 $0x8400  }
0x52: {  	[hbm4b:s22+s6] =	stream.indirect.scatter [tilespmem:s15], [sflag:$0x2], $0x10, s18, s6, $0xb8;
	[tilespmem:$0x14400] =	vst v63  }
0x53: {  	s16 =	simm.s32 $0x8C00  }
0x54: {  	[hbm4b:s22+s6] =	stream.indirect.scatter [tilespmem:s16], [sflag:$0x2], $0x10, s29, s6, $0xb8;
	[tilespmem:$0x14400] =	vst v63  }
0x55: {  	s17 =	simm.s32 $0x9400  }
0x56: {  	[hbm4b:s22+s6] =	stream.indirect.scatter [tilespmem:s17], [sflag:$0x2], $0x10, s31, s6, $0xb8;
	[tilespmem:$0x14400] =	vst v63  }
0x57: {  	s18 =	simm.s32 $0x9C00  }
0x58: {  	[hbm4b:s22+s6] =	stream.indirect.scatter [tilespmem:s18], [sflag:$0x2], $0x10, s4, s6, $0xb8;
	[tilespmem:$0x14400] =	vst v63  }
0x59: {  	s19 =	simm.s32 $0xA400  }
0x5a: {  	[hbm4b:s22+s6] =	stream.indirect.scatter [tilespmem:s19], [sflag:$0x2], $0x10, s1, s6, $0xb8;
	[tilespmem:$0x14400] =	vst v63  }
0x5b: {  	s24 =	simm.s32 @!p0 $0x3;
	s21 =	simm.s32 $0xAC00  }
0x5c: {  	[hbm4b:s22+s6] =	stream.indirect.scatter [tilespmem:s21], [sflag:$0x2], $0x10, s8, s6, $0xb8;
	[tilespmem:$0x14400] =	vst v63  }
0x5d: {  	_ =	swait.ge @!p0 [sflag:s24], $0x9000  }
0x5e: {  	[sflag:s24] =	ssyncset.done @!p0 $0x0  }
0x5f: {  	s23 =	simm.s32 $0xB400;
	s1 =	simm.s32 $0x900;
	[sflag:s24] =	ssyncadd.s32 @!p0 $0xFFFF7000  }
0x60: {  	[tilespmem:s23], [sflag:$0x1] =	stream.indirect.gather [hbm4b:s20+s6], $0x10, s1, s6, $0xb8;
	[tilespmem:$0x14400] =	vst v63  }
0x61: {  	s3 =	simm.s32 $0x980;
	s24 =	simm.s32 $0xBC00  }
0x62: {  	[tilespmem:s24], [sflag:$0x1] =	stream.indirect.gather [hbm4b:s20+s6], $0x10, s3, s6, $0xb8;
	[tilespmem:$0x14400] =	vst v63  }
0x63: {  	s25 =	simm.s32 $0xC400;
	s5 =	simm.s32 $0xA00  }
0x64: {  	[tilespmem:s25], [sflag:$0x1] =	stream.indirect.gather [hbm4b:s20+s6], $0x10, s5, s6, $0xb8;
	[tilespmem:$0x14400] =	vst v63  }
0x65: {  	s26 =	simm.s32 $0xCC00;
	s8 =	simm.s32 $0xA80  }
0x66: {  	[tilespmem:s26], [sflag:$0x1] =	stream.indirect.gather [hbm4b:s20+s6], $0x10, s8, s6, $0xb8;
	[tilespmem:$0x14400] =	vst v63  }
0x67: {  	s28 =	simm.s32 $0xD400;
	s13 =	simm.s32 $0xB00  }
0x68: {  	[tilespmem:s28], [sflag:$0x1] =	stream.indirect.gather [hbm4b:s20+s6], $0x10, s13, s6, $0xb8;
	[tilespmem:$0x14400] =	vst v63  }
0x69: {  	s15 =	simm.s32 $0xB80;
	s29 =	simm.s32 $0xDC00  }
0x6a: {  	[tilespmem:s29], [sflag:$0x1] =	stream.indirect.gather [hbm4b:s20+s6], $0x10, s15, s6, $0xb8;
	[tilespmem:$0x14400] =	vst v63  }
0x6b: {  	s30 =	simm.s32 $0xE400;
	s19 =	simm.s32 $0xC00  }
0x6c: {  	[tilespmem:s30], [sflag:$0x1] =	stream.indirect.gather [hbm4b:s20+s6], $0x10, s19, s6, $0xb8;
	[tilespmem:$0x14400] =	vst v63  }
0x6d: {  	s31 =	simm.s32 $0xEC00;
	s25 =	simm.s32 $0xC80  }
0x6e: {  	[tilespmem:s31], [sflag:$0x1] =	stream.indirect.gather [hbm4b:s20+s6], $0x10, s25, s6, $0xb8;
	[tilespmem:$0x14400] =	vst v63  }
0x6f: {  	s4 =	simm.s32 $0xF400;
	s31 =	simm.s32 $0xD00  }
0x70: {  	[tilespmem:s4], [sflag:$0x1] =	stream.indirect.gather [hbm4b:s20+s6], $0x10, s31, s6, $0xb8;
	[tilespmem:$0x14400] =	vst v63  }
0x71: {  	s2 =	simm.s32 $0xD80;
	s7 =	simm.s32 $0xFC00  }
0x72: {  	[tilespmem:s7], [sflag:$0x1] =	stream.indirect.gather [hbm4b:s20+s6], $0x10, s2, s6, $0xb8;
	[tilespmem:$0x14400] =	vst v63  }
0x73: {  	s9 =	simm.s32 $0x10400;
	s4 =	simm.s32 $0xE00  }
0x74: {  	[tilespmem:s9], [sflag:$0x1] =	stream.indirect.gather [hbm4b:s20+s6], $0x10, s4, s6, $0xb8;
	[tilespmem:$0x14400] =	vst v63  }
0x75: {  	s10 =	simm.s32 $0x10C00;
	s7 =	simm.s32 $0xE80  }
0x76: {  	[tilespmem:s10], [sflag:$0x1] =	stream.indirect.gather [hbm4b:s20+s6], $0x10, s7, s6, $0xb8;
	[tilespmem:$0x14400] =	vst v63  }
0x77: {  	s11 =	simm.s32 $0x11400;
	s9 =	simm.s32 $0xF00  }
0x78: {  	[tilespmem:s11], [sflag:$0x1] =	stream.indirect.gather [hbm4b:s20+s6], $0x10, s9, s6, $0xb8;
	[tilespmem:$0x14400] =	vst v63  }
0x79: {  	s12 =	simm.s32 $0x11C00;
	s10 =	simm.s32 $0xF80  }
0x7a: {  	[tilespmem:s12], [sflag:$0x1] =	stream.indirect.gather [hbm4b:s20+s6], $0x10, s10, s6, $0xb8;
	[tilespmem:$0x14400] =	vst v63  }
0x7b: {  	s14 =	simm.s32 $0x12400;
	s11 =	simm.s32 $0x1000  }
0x7c: {  	[tilespmem:s14], [sflag:$0x1] =	stream.indirect.gather [hbm4b:s20+s6], $0x10, s11, s6, $0xb8;
	[tilespmem:$0x14400] =	vst v63  }
0x7d: {  	s16 =	simm.s32 $0x12C00;
	s12 =	simm.s32 $0x1080  }
0x7e: {  	[tilespmem:s16], [sflag:$0x1] =	stream.indirect.gather [hbm4b:s20+s6], $0x10, s12, s6, $0xb8;
	[tilespmem:$0x14400] =	vst v63  }
0x7f: {  	s17 =	simm.s32 $0x13400;
	s14 =	simm.s32 $0x1100  }
0x80: {  	[tilespmem:s17], [sflag:$0x1] =	stream.indirect.gather [hbm4b:s20+s6], $0x10, s14, s6, $0xb8;
	[tilespmem:$0x14400] =	vst v63  }
0x81: {  	s16 =	simm.s32 $0x1180;
	s17 =	simm.s32 $0x13C00  }
0x82: {  	[tilespmem:s17], [sflag:$0x1] =	stream.indirect.gather [hbm4b:s20+s6], $0x10, s16, s6, $0xb8;
	[tilespmem:$0x14400] =	vst v63  }
0x83: {  	_ =	swait.ge [sflag:s0], $0x9000  }
0x84: {  	[sflag:s0] =	ssyncset.done $0x0  }
0x85: {  	s20 =	simm.s32 $0xB400;
	[sflag:s0] =	ssyncadd.s32 $0xFFFF7000  }
0x86: {  	[hbm4b:s22+s6] =	stream.indirect.scatter [tilespmem:s20], [sflag:$0x3], $0x10, s1, s6, $0xb8;
	[tilespmem:$0x14400] =	vst v63  }
0x87: {  	s18 =	simm.s32 $0xBC00  }
0x88: {  	[hbm4b:s22+s6] =	stream.indirect.scatter [tilespmem:s18], [sflag:$0x3], $0x10, s3, s6, $0xb8;
	[tilespmem:$0x14400] =	vst v63  }
0x89: {  	s21 =	simm.s32 $0xC400  }
0x8a: {  	[hbm4b:s22+s6] =	stream.indirect.scatter [tilespmem:s21], [sflag:$0x3], $0x10, s5, s6, $0xb8;
	[tilespmem:$0x14400] =	vst v63  }
0x8b: {  	s5 =	simm.s32 $0xCC00  }
0x8c: {  	[hbm4b:s22+s6] =	stream.indirect.scatter [tilespmem:s5], [sflag:$0x3], $0x10, s8, s6, $0xb8;
	[tilespmem:$0x14400] =	vst v63  }
0x8d: {  	s23 =	simm.s32 $0xD400  }
0x8e: {  	[hbm4b:s22+s6] =	stream.indirect.scatter [tilespmem:s23], [sflag:$0x3], $0x10, s13, s6, $0xb8;
	[tilespmem:$0x14400] =	vst v63  }
0x8f: {  	s24 =	simm.s32 $0xDC00  }
0x90: {  	[hbm4b:s22+s6] =	stream.indirect.scatter [tilespmem:s24], [sflag:$0x3], $0x10, s15, s6, $0xb8;
	[tilespmem:$0x14400] =	vst v63  }
0x91: {  	s26 =	simm.s32 $0xE400  }
0x92: {  	[hbm4b:s22+s6] =	stream.indirect.scatter [tilespmem:s26], [sflag:$0x3], $0x10, s19, s6, $0xb8;
	[tilespmem:$0x14400] =	vst v63  }
0x93: {  	s18 =	simm.s32 $0xEC00  }
0x94: {  	[hbm4b:s22+s6] =	stream.indirect.scatter [tilespmem:s18], [sflag:$0x3], $0x10, s25, s6, $0xb8;
	[tilespmem:$0x14400] =	vst v63  }
0x95: {  	s19 =	simm.s32 $0xF400  }
0x96: {  	[hbm4b:s22+s6] =	stream.indirect.scatter [tilespmem:s19], [sflag:$0x3], $0x10, s31, s6, $0xb8;
	[tilespmem:$0x14400] =	vst v63  }
0x97: {  	s28 =	simm.s32 $0xFC00  }
0x98: {  	[hbm4b:s22+s6] =	stream.indirect.scatter [tilespmem:s28], [sflag:$0x3], $0x10, s2, s6, $0xb8;
	[tilespmem:$0x14400] =	vst v63  }
0x99: {  	s29 =	simm.s32 $0x10400  }
0x9a: {  	[hbm4b:s22+s6] =	stream.indirect.scatter [tilespmem:s29], [sflag:$0x3], $0x10, s4, s6, $0xb8;
	[tilespmem:$0x14400] =	vst v63  }
0x9b: {  	s30 =	simm.s32 $0x10C00  }
0x9c: {  	[hbm4b:s22+s6] =	stream.indirect.scatter [tilespmem:s30], [sflag:$0x3], $0x10, s7, s6, $0xb8;
	[tilespmem:$0x14400] =	vst v63  }
0x9d: {  	s20 =	simm.s32 $0x11400  }
0x9e: {  	[hbm4b:s22+s6] =	stream.indirect.scatter [tilespmem:s20], [sflag:$0x3], $0x10, s9, s6, $0xb8;
	[tilespmem:$0x14400] =	vst v63  }
0x9f: {  	s21 =	simm.s32 $0x11C00  }
0xa0: {  	[hbm4b:s22+s6] =	stream.indirect.scatter [tilespmem:s21], [sflag:$0x3], $0x10, s10, s6, $0xb8;
	[tilespmem:$0x14400] =	vst v63  }
0xa1: {  	s23 =	simm.s32 $0x12400  }
0xa2: {  	[hbm4b:s22+s6] =	stream.indirect.scatter [tilespmem:s23], [sflag:$0x3], $0x10, s11, s6, $0xb8;
	[tilespmem:$0x14400] =	vst v63  }
0xa3: {  	s24 =	simm.s32 $0x12C00  }
0xa4: {  	[hbm4b:s22+s6] =	stream.indirect.scatter [tilespmem:s24], [sflag:$0x3], $0x10, s12, s6, $0xb8;
	[tilespmem:$0x14400] =	vst v63  }
0xa5: {  	s25 =	simm.s32 $0x13400  }
0xa6: {  	[hbm4b:s22+s6] =	stream.indirect.scatter [tilespmem:s25], [sflag:$0x3], $0x10, s14, s6, $0xb8;
	[tilespmem:$0x14400] =	vst v63  }
0xa7: {  	s17 =	simm.s32 $0x13C00;
	s26 =	simm.s32 $0x2  }
0xa8: {  	[hbm4b:s22+s6] =	stream.indirect.scatter [tilespmem:s17], [sflag:$0x3], $0x10, s16, s6, $0xb8;
	[tilespmem:$0x14400] =	vst v63  }
0xa9: {  	_ =	swait.ge [sflag:s26], $0x9000  }
0xaa: {  	s29 =	simm.s32 $0x1200;
	s28 =	rddreg [dreg:$0x3];
	[sflag:s26] =	ssyncset.done $0x0  }
0xab: {  	s16 =	simm.s32 $0x2400;
	[sflag:s26] =	ssyncadd.s32 $0xFFFF7000;
	s20 =	sadd.s32 $0x0, s28  }
0xac: {  	[tilespmem:s16], [sflag:$0x1] =	stream.indirect.gather [hbm4b:s20+s6], $0x10, s29, s6, $0xb8;
	[tilespmem:$0x14400] =	vst v63  }
0xad: {  	s5 =	simm.s32 $0x2C00;
	s30 =	simm.s32 $0x1280  }
0xae: {  	[tilespmem:s5], [sflag:$0x1] =	stream.indirect.gather [hbm4b:s20+s6], $0x10, s30, s6, $0xb8;
	[tilespmem:$0x14400] =	vst v63  }
0xaf: {  	s7 =	simm.s32 $0x3400;
	s23 =	simm.s32 $0x1300  }
0xb0: {  	[tilespmem:s7], [sflag:$0x1] =	stream.indirect.gather [hbm4b:s20+s6], $0x10, s23, s6, $0xb8;
	[tilespmem:$0x14400] =	vst v63  }
0xb1: {  	s8 =	simm.s32 $0x3C00;
	s24 =	simm.s32 $0x1380  }
0xb2: {  	[tilespmem:s8], [sflag:$0x1] =	stream.indirect.gather [hbm4b:s20+s6], $0x10, s24, s6, $0xb8;
	[tilespmem:$0x14400] =	vst v63  }
0xb3: {  	s9 =	simm.s32 $0x4400;
	s26 =	simm.s32 $0x1400  }
0xb4: {  	[tilespmem:s9], [sflag:$0x1] =	stream.indirect.gather [hbm4b:s20+s6], $0x10, s26, s6, $0xb8;
	[tilespmem:$0x14400] =	vst v63  }
0xb5: {  	s10 =	simm.s32 $0x4C00;
	s28 =	simm.s32 $0x1480  }
0xb6: {  	[tilespmem:s10], [sflag:$0x1] =	stream.indirect.gather [hbm4b:s20+s6], $0x10, s28, s6, $0xb8;
	[tilespmem:$0x14400] =	vst v63  }
0xb7: {  	s11 =	simm.s32 $0x5400;
	s29 =	simm.s32 $0x1500  }
0xb8: {  	[tilespmem:s11], [sflag:$0x1] =	stream.indirect.gather [hbm4b:s20+s6], $0x10, s29, s6, $0xb8;
	[tilespmem:$0x14400] =	vst v63  }
0xb9: {  	s12 =	simm.s32 $0x5C00;
	s30 =	simm.s32 $0x1580  }
0xba: {  	[tilespmem:s12], [sflag:$0x1] =	stream.indirect.gather [hbm4b:s20+s6], $0x10, s30, s6, $0xb8;
	[tilespmem:$0x14400] =	vst v63  }
0xbb: {  	s13 =	simm.s32 $0x6400;
	s31 =	simm.s32 $0x1600  }
0xbc: {  	[tilespmem:s13], [sflag:$0x1] =	stream.indirect.gather [hbm4b:s20+s6], $0x10, s31, s6, $0xb8;
	[tilespmem:$0x14400] =	vst v63  }
0xbd: {  	s2 =	simm.s32 $0x1680;
	s17 =	simm.s32 $0x6C00  }
0xbe: {  	[tilespmem:s17], [sflag:$0x1] =	stream.indirect.gather [hbm4b:s20+s6], $0x10, s2, s6, $0xb8;
	[tilespmem:$0x14400] =	vst v63  }
0xbf: {  	s1 =	simm.s32 $0x7400;
	s3 =	simm.s32 $0x1700  }
0xc0: {  	[tilespmem:s1], [sflag:$0x1] =	stream.indirect.gather [hbm4b:s20+s6], $0x10, s3, s6, $0xb8;
	[tilespmem:$0x14400] =	vst v63  }
0xc1: {  	s4 =	simm.s32 $0x1780;
	s2 =	simm.s32 $0x7C00  }
0xc2: {  	[tilespmem:s2], [sflag:$0x1] =	stream.indirect.gather [hbm4b:s20+s6], $0x10, s4, s6, $0xb8;
	[tilespmem:$0x14400] =	vst v63  }
0xc3: {  	s14 =	simm.s32 $0x1800;
	s3 =	simm.s32 $0x8400  }
0xc4: {  	[tilespmem:s3], [sflag:$0x1] =	stream.indirect.gather [hbm4b:s20+s6], $0x10, s14, s6, $0xb8;
	[tilespmem:$0x14400] =	vst v63  }
0xc5: {  	s15 =	simm.s32 $0x1880;
	s4 =	simm.s32 $0x8C00  }
0xc6: {  	[tilespmem:s4], [sflag:$0x1] =	stream.indirect.gather [hbm4b:s20+s6], $0x10, s15, s6, $0xb8;
	[tilespmem:$0x14400] =	vst v63  }
0xc7: {  	s18 =	simm.s32 $0x1900;
	s14 =	simm.s32 $0x9400  }
0xc8: {  	[tilespmem:s14], [sflag:$0x1] =	stream.indirect.gather [hbm4b:s20+s6], $0x10, s18, s6, $0xb8;
	[tilespmem:$0x14400] =	vst v63  }
0xc9: {  	s19 =	simm.s32 $0x1980;
	s15 =	simm.s32 $0x9C00  }
0xca: {  	[tilespmem:s15], [sflag:$0x1] =	stream.indirect.gather [hbm4b:s20+s6], $0x10, s19, s6, $0xb8;
	[tilespmem:$0x14400] =	vst v63  }
0xcb: {  	s25 =	simm.s32 $0x1A00;
	s18 =	simm.s32 $0xA400  }
0xcc: {  	[tilespmem:s18], [sflag:$0x1] =	stream.indirect.gather [hbm4b:s20+s6], $0x10, s25, s6, $0xb8;
	[tilespmem:$0x14400] =	vst v63  }
0xcd: {  	s31 =	simm.s32 $0x1A80;
	s19 =	simm.s32 $0xAC00  }
0xce: {  	[tilespmem:s19], [sflag:$0x1] =	stream.indirect.gather [hbm4b:s20+s6], $0x10, s31, s6, $0xb8;
	[tilespmem:$0x14400] =	vst v63  }
0xcf: {  	_ =	swait.ge [sflag:s0], $0x9000  }
0xd0: {  	[sflag:s0] =	ssyncset.done $0x0  }
0xd1: {  	s21 =	simm.s32 $0x1200;
	[sflag:s0] =	ssyncadd.s32 $0xFFFF7000  }
0xd2: {  	[hbm4b:s22+s6] =	stream.indirect.scatter [tilespmem:s16], [sflag:$0x2], $0x10, s21, s6, $0xb8;
	[tilespmem:$0x14400] =	vst v63  }
0xd3: {  	s21 =	simm.s32 $0x1280  }
0xd4: {  	[hbm4b:s22+s6] =	stream.indirect.scatter [tilespmem:s5], [sflag:$0x2], $0x10, s21, s6, $0xb8;
	[tilespmem:$0x14400] =	vst v63  }
0xd5: {  	_ = 	snop  }
0xd6: {  	[hbm4b:s22+s6] =	stream.indirect.scatter [tilespmem:s7], [sflag:$0x2], $0x10, s23, s6, $0xb8;
	[tilespmem:$0x14400] =	vst v63  }
0xd7: {  	_ = 	snop  }
0xd8: {  	[hbm4b:s22+s6] =	stream.indirect.scatter [tilespmem:s8], [sflag:$0x2], $0x10, s24, s6, $0xb8;
	[tilespmem:$0x14400] =	vst v63  }
0xd9: {  	_ = 	snop  }
0xda: {  	[hbm4b:s22+s6] =	stream.indirect.scatter [tilespmem:s9], [sflag:$0x2], $0x10, s26, s6, $0xb8;
	[tilespmem:$0x14400] =	vst v63  }
0xdb: {  	_ = 	snop  }
0xdc: {  	[hbm4b:s22+s6] =	stream.indirect.scatter [tilespmem:s10], [sflag:$0x2], $0x10, s28, s6, $0xb8;
	[tilespmem:$0x14400] =	vst v63  }
0xdd: {  	_ = 	snop  }
0xde: {  	[hbm4b:s22+s6] =	stream.indirect.scatter [tilespmem:s11], [sflag:$0x2], $0x10, s29, s6, $0xb8;
	[tilespmem:$0x14400] =	vst v63  }
0xdf: {  	_ = 	snop  }
0xe0: {  	[hbm4b:s22+s6] =	stream.indirect.scatter [tilespmem:s12], [sflag:$0x2], $0x10, s30, s6, $0xb8;
	[tilespmem:$0x14400] =	vst v63  }
0xe1: {  	s11 =	simm.s32 $0x1600  }
0xe2: {  	[hbm4b:s22+s6] =	stream.indirect.scatter [tilespmem:s13], [sflag:$0x2], $0x10, s11, s6, $0xb8;
	[tilespmem:$0x14400] =	vst v63  }
0xe3: {  	s12 =	simm.s32 $0x1680  }
0xe4: {  	[hbm4b:s22+s6] =	stream.indirect.scatter [tilespmem:s17], [sflag:$0x2], $0x10, s12, s6, $0xb8;
	[tilespmem:$0x14400] =	vst v63  }
0xe5: {  	s13 =	simm.s32 $0x1700  }
0xe6: {  	[hbm4b:s22+s6] =	stream.indirect.scatter [tilespmem:s1], [sflag:$0x2], $0x10, s13, s6, $0xb8;
	[tilespmem:$0x14400] =	vst v63  }
0xe7: {  	s16 =	simm.s32 $0x1780  }
0xe8: {  	[hbm4b:s22+s6] =	stream.indirect.scatter [tilespmem:s2], [sflag:$0x2], $0x10, s16, s6, $0xb8;
	[tilespmem:$0x14400] =	vst v63  }
0xe9: {  	s17 =	simm.s32 $0x1800  }
0xea: {  	[hbm4b:s22+s6] =	stream.indirect.scatter [tilespmem:s3], [sflag:$0x2], $0x10, s17, s6, $0xb8;
	[tilespmem:$0x14400] =	vst v63  }
0xeb: {  	s21 =	simm.s32 $0x1880  }
0xec: {  	[hbm4b:s22+s6] =	stream.indirect.scatter [tilespmem:s4], [sflag:$0x2], $0x10, s21, s6, $0xb8;
	[tilespmem:$0x14400] =	vst v63  }
0xed: {  	s23 =	simm.s32 $0x1900  }
0xee: {  	[hbm4b:s22+s6] =	stream.indirect.scatter [tilespmem:s14], [sflag:$0x2], $0x10, s23, s6, $0xb8;
	[tilespmem:$0x14400] =	vst v63  }
0xef: {  	s24 =	simm.s32 $0x1980  }
0xf0: {  	[hbm4b:s22+s6] =	stream.indirect.scatter [tilespmem:s15], [sflag:$0x2], $0x10, s24, s6, $0xb8;
	[tilespmem:$0x14400] =	vst v63  }
0xf1: {  	_ = 	snop  }
0xf2: {  	[hbm4b:s22+s6] =	stream.indirect.scatter [tilespmem:s18], [sflag:$0x2], $0x10, s25, s6, $0xb8;
	[tilespmem:$0x14400] =	vst v63  }
0xf3: {  	s26 =	simm.s32 $0x3  }
0xf4: {  	[hbm4b:s22+s6] =	stream.indirect.scatter [tilespmem:s19], [sflag:$0x2], $0x10, s31, s6, $0xb8;
	[tilespmem:$0x14400] =	vst v63  }
0xf5: {  	_ =	swait.ge [sflag:s26], $0x9000  }
0xf6: {  	[sflag:s26] =	ssyncset.done $0x0  }
0xf7: {  	s28 =	simm.s32 $0x1B00;
	s18 =	simm.s32 $0xB400;
	[sflag:s26] =	ssyncadd.s32 $0xFFFF7000  }
0xf8: {  	[tilespmem:s18], [sflag:$0x1] =	stream.indirect.gather [hbm4b:s20+s6], $0x10, s28, s6, $0xb8;
	[tilespmem:$0x14400] =	vst v63  }
0xf9: {  	s29 =	simm.s32 $0x1B80;
	s21 =	simm.s32 $0xBC00  }
0xfa: {  	[tilespmem:s21], [sflag:$0x1] =	stream.indirect.gather [hbm4b:s20+s6], $0x10, s29, s6, $0xb8;
	[tilespmem:$0x14400] =	vst v63  }
0xfb: {  	s30 =	simm.s32 $0x1C00;
	s23 =	simm.s32 $0xC400  }
0xfc: {  	[tilespmem:s23], [sflag:$0x1] =	stream.indirect.gather [hbm4b:s20+s6], $0x10, s30, s6, $0xb8;
	[tilespmem:$0x14400] =	vst v63  }
0xfd: {  	s9 =	simm.s32 $0xCC00;
	s31 =	simm.s32 $0x1C80  }
0xfe: {  	[tilespmem:s9], [sflag:$0x1] =	stream.indirect.gather [hbm4b:s20+s6], $0x10, s31, s6, $0xb8;
	[tilespmem:$0x14400] =	vst v63  }
0xff: {  	s2 =	simm.s32 $0x1D00;
	s24 =	simm.s32 $0xD400  }
0x100: {  	[tilespmem:s24], [sflag:$0x1] =	stream.indirect.gather [hbm4b:s20+s6], $0x10, s2, s6, $0xb8;
	[tilespmem:$0x14400] =	vst v63  }
0x101: {  	s3 =	simm.s32 $0x1D80;
	s26 =	simm.s32 $0xDC00  }
0x102: {  	[tilespmem:s26], [sflag:$0x1] =	stream.indirect.gather [hbm4b:s20+s6], $0x10, s3, s6, $0xb8;
	[tilespmem:$0x14400] =	vst v63  }
0x103: {  	s4 =	simm.s32 $0x1E00;
	s28 =	simm.s32 $0xE400  }
0x104: {  	[tilespmem:s28], [sflag:$0x1] =	stream.indirect.gather [hbm4b:s20+s6], $0x10, s4, s6, $0xb8;
	[tilespmem:$0x14400] =	vst v63  }
0x105: {  	s5 =	simm.s32 $0x1E80;
	s8 =	simm.s32 $0xEC00  }
0x106: {  	[tilespmem:s8], [sflag:$0x1] =	stream.indirect.gather [hbm4b:s20+s6], $0x10, s5, s6, $0xb8;
	[tilespmem:$0x14400] =	vst v63  }
0x107: {  	s7 =	simm.s32 $0x1F00;
	s5 =	simm.s32 $0xF400  }
0x108: {  	[tilespmem:s5], [sflag:$0x1] =	stream.indirect.gather [hbm4b:s20+s6], $0x10, s7, s6, $0xb8;
	[tilespmem:$0x14400] =	vst v63  }
0x109: {  	s11 =	simm.s32 $0x1F80;
	s29 =	simm.s32 $0xFC00  }
0x10a: {  	[tilespmem:s29], [sflag:$0x1] =	stream.indirect.gather [hbm4b:s20+s6], $0x10, s11, s6, $0xb8;
	[tilespmem:$0x14400] =	vst v63  }
0x10b: {  	s12 =	simm.s32 $0x2000;
	s30 =	simm.s32 $0x10400  }
0x10c: {  	[tilespmem:s30], [sflag:$0x1] =	stream.indirect.gather [hbm4b:s20+s6], $0x10, s12, s6, $0xb8;
	[tilespmem:$0x14400] =	vst v63  }
0x10d: {  	s13 =	simm.s32 $0x2080;
	s31 =	simm.s32 $0x10C00  }
0x10e: {  	[tilespmem:s31], [sflag:$0x1] =	stream.indirect.gather [hbm4b:s20+s6], $0x10, s13, s6, $0xb8;
	[tilespmem:$0x14400] =	vst v63  }
0x10f: {  	s14 =	simm.s32 $0x2100;
	s7 =	simm.s32 $0x11400  }
0x110: {  	[tilespmem:s7], [sflag:$0x1] =	stream.indirect.gather [hbm4b:s20+s6], $0x10, s14, s6, $0xb8;
	[tilespmem:$0x14400] =	vst v63  }
0x111: {  	s1 =	simm.s32 $0x11C00;
	s15 =	simm.s32 $0x2180  }
0x112: {  	[tilespmem:s1], [sflag:$0x1] =	stream.indirect.gather [hbm4b:s20+s6], $0x10, s15, s6, $0xb8;
	[tilespmem:$0x14400] =	vst v63  }
0x113: {  	s16 =	simm.s32 $0x2200;
	s2 =	simm.s32 $0x12400  }
0x114: {  	[tilespmem:s2], [sflag:$0x1] =	stream.indirect.gather [hbm4b:s20+s6], $0x10, s16, s6, $0xb8;
	[tilespmem:$0x14400] =	vst v63  }
0x115: {  	s19 =	simm.s32 $0x2280;
	s3 =	simm.s32 $0x12C00  }
0x116: {  	[tilespmem:s3], [sflag:$0x1] =	stream.indirect.gather [hbm4b:s20+s6], $0x10, s19, s6, $0xb8;
	[tilespmem:$0x14400] =	vst v63  }
0x117: {  	s25 =	simm.s32 $0x2300;
	s4 =	simm.s32 $0x13400  }
0x118: {  	[tilespmem:s4], [sflag:$0x1] =	stream.indirect.gather [hbm4b:s20+s6], $0x10, s25, s6, $0xb8;
	[tilespmem:$0x14400] =	vst v63  }
0x119: {  	s10 =	simm.s32 $0x13C00;
	s17 =	simm.s32 $0x2380  }
0x11a: {  	[tilespmem:s10], [sflag:$0x1] =	stream.indirect.gather [hbm4b:s20+s6], $0x10, s17, s6, $0xb8;
	[tilespmem:$0x14400] =	vst v63  }
0x11b: {  	_ =	swait.ge [sflag:s0], $0x9000  }
0x11c: {  	[sflag:s0] =	ssyncset.done $0x0  }
0x11d: {  	s10 =	simm.s32 $0x1B00;
	[sflag:s0] =	ssyncadd.s32 $0xFFFF7000  }
0x11e: {  	[hbm4b:s22+s6] =	stream.indirect.scatter [tilespmem:s18], [sflag:$0x3], $0x10, s10, s6, $0xb8;
	[tilespmem:$0x14400] =	vst v63  }
0x11f: {  	s17 =	simm.s32 $0x1B80  }
0x120: {  	[hbm4b:s22+s6] =	stream.indirect.scatter [tilespmem:s21], [sflag:$0x3], $0x10, s17, s6, $0xb8;
	[tilespmem:$0x14400] =	vst v63  }
0x121: {  	s18 =	simm.s32 $0x1C00  }
0x122: {  	[hbm4b:s22+s6] =	stream.indirect.scatter [tilespmem:s23], [sflag:$0x3], $0x10, s18, s6, $0xb8;
	[tilespmem:$0x14400] =	vst v63  }
0x123: {  	s20 =	simm.s32 $0x1C80  }
0x124: {  	[hbm4b:s22+s6] =	stream.indirect.scatter [tilespmem:s9], [sflag:$0x3], $0x10, s20, s6, $0xb8;
	[tilespmem:$0x14400] =	vst v63  }
0x125: {  	s21 =	simm.s32 $0x1D00  }
0x126: {  	[hbm4b:s22+s6] =	stream.indirect.scatter [tilespmem:s24], [sflag:$0x3], $0x10, s21, s6, $0xb8;
	[tilespmem:$0x14400] =	vst v63  }
0x127: {  	s23 =	simm.s32 $0x1D80  }
0x128: {  	[hbm4b:s22+s6] =	stream.indirect.scatter [tilespmem:s26], [sflag:$0x3], $0x10, s23, s6, $0xb8;
	[tilespmem:$0x14400] =	vst v63  }
0x129: {  	s24 =	simm.s32 $0x1E00  }
0x12a: {  	[hbm4b:s22+s6] =	stream.indirect.scatter [tilespmem:s28], [sflag:$0x3], $0x10, s24, s6, $0xb8;
	[tilespmem:$0x14400] =	vst v63  }
0x12b: {  	s26 =	simm.s32 $0x1E80  }
0x12c: {  	[hbm4b:s22+s6] =	stream.indirect.scatter [tilespmem:s8], [sflag:$0x3], $0x10, s26, s6, $0xb8;
	[tilespmem:$0x14400] =	vst v63  }
0x12d: {  	s28 =	simm.s32 $0x1F00  }
0x12e: {  	[hbm4b:s22+s6] =	stream.indirect.scatter [tilespmem:s5], [sflag:$0x3], $0x10, s28, s6, $0xb8;
	[tilespmem:$0x14400] =	vst v63  }
0x12f: {  	_ = 	snop  }
0x130: {  	[hbm4b:s22+s6] =	stream.indirect.scatter [tilespmem:s29], [sflag:$0x3], $0x10, s11, s6, $0xb8;
	[tilespmem:$0x14400] =	vst v63  }
0x131: {  	_ = 	snop  }
0x132: {  	[hbm4b:s22+s6] =	stream.indirect.scatter [tilespmem:s30], [sflag:$0x3], $0x10, s12, s6, $0xb8;
	[tilespmem:$0x14400] =	vst v63  }
0x133: {  	_ = 	snop  }
0x134: {  	[hbm4b:s22+s6] =	stream.indirect.scatter [tilespmem:s31], [sflag:$0x3], $0x10, s13, s6, $0xb8;
	[tilespmem:$0x14400] =	vst v63  }
0x135: {  	_ = 	snop  }
0x136: {  	[hbm4b:s22+s6] =	stream.indirect.scatter [tilespmem:s7], [sflag:$0x3], $0x10, s14, s6, $0xb8;
	[tilespmem:$0x14400] =	vst v63  }
0x137: {  	_ = 	snop  }
0x138: {  	[hbm4b:s22+s6] =	stream.indirect.scatter [tilespmem:s1], [sflag:$0x3], $0x10, s15, s6, $0xb8;
	[tilespmem:$0x14400] =	vst v63  }
0x139: {  	_ = 	snop  }
0x13a: {  	[hbm4b:s22+s6] =	stream.indirect.scatter [tilespmem:s2], [sflag:$0x3], $0x10, s16, s6, $0xb8;
	[tilespmem:$0x14400] =	vst v63  }
0x13b: {  	p6 =	por $0x0, $0x0;
	s31 =	simm.s32 $0x4800  }
0x13c: {  	[hbm4b:s22+s6] =	stream.indirect.scatter [tilespmem:s3], [sflag:$0x3], $0x10, s19, s6, $0xb8;
	[tilespmem:$0x14400] =	vst v63  }
0x13d: {  	p0 =	por p6, p6;
	[dreg:$0x7] =	wrdreg s31;
	s2 =	simm.s32 $0x9000  }
0x13e: {  	[hbm4b:s22+s6] =	stream.indirect.scatter [tilespmem:s4], [sflag:$0x3], $0x10, s25, s6, $0xb8;
	[tilespmem:$0x14400] =	vst v63  }
.LBB2_2:
0x13f: {  	s0 =	simm.s32 $0x13C00;
	s1 =	simm.s32 $0x2380;
	s3 =	sadd.s32 $0x4800, s2  }
0x140: {  	[hbm4b:s22+s6] =	stream.indirect.scatter [tilespmem:s0], [sflag:$0x3], $0x10, s1, s6, $0xb8;
	[tilespmem:$0x14400] =	vst v63  }
0x141: {  	s1 =	smov.u32 s2;
	[dreg:$0x8] =	wrdreg s3  }
0x142: {  	s22 =	simm.s32 @!p0 $0x2;
	[dreg:$0x6] =	wrdreg s1  }
0x143: {  	_ =	swait.ge @!p0 [sflag:s22], $0x9000  }
0x144: {  	s29 =	rddreg [dreg:$0x5]  }
0x145: {  	s31 =	simm.s32 $0x0;
	[sflag:s22] =	ssyncset.done @!p0 $0x0;
	s23 =	rddreg [dreg:$0x7]  }
0x146: {  	s4 =	simm.s32 $0x2400;
	[sflag:s22] =	ssyncadd.s32 @!p0 $0xFFFF7000;
	s29 =	sadd.s32 s23, s29  }
0x147: {  	[tilespmem:s4], [sflag:$0x1] =	stream.indirect.gather [hbm4b:s29+s6], $0x10, s31, s6, $0xb8;
	[tilespmem:$0x14400] =	vst v63  }
0x148: {  	s5 =	simm.s32 $0x2C00  }
0x149: {  	[tilespmem:s5], [sflag:$0x1] =	stream.indirect.gather [hbm4b:s29+s6], $0x10, s6, s6, $0xb8;
	[tilespmem:$0x14400] =	vst v63  }
0x14a: {  	s7 =	simm.s32 $0x3400;
	s2 =	simm.s32 $0x100  }
0x14b: {  	[tilespmem:s7], [sflag:$0x1] =	stream.indirect.gather [hbm4b:s29+s6], $0x10, s2, s6, $0xb8;
	[tilespmem:$0x14400] =	vst v63  }
0x14c: {  	s15 =	simm.s32 $0x180;
	s8 =	simm.s32 $0x3C00  }
0x14d: {  	[tilespmem:s8], [sflag:$0x1] =	stream.indirect.gather [hbm4b:s29+s6], $0x10, s15, s6, $0xb8;
	[tilespmem:$0x14400] =	vst v63  }
0x14e: {  	s25 =	simm.s32 $0x200;
	s9 =	simm.s32 $0x4400  }
0x14f: {  	[tilespmem:s9], [sflag:$0x1] =	stream.indirect.gather [hbm4b:s29+s6], $0x10, s25, s6, $0xb8;
	[tilespmem:$0x14400] =	vst v63  }
0x150: {  	s10 =	simm.s32 $0x4C00;
	p1 =	sne.s32 s3, $0x6C000;
	s3 =	simm.s32 $0x280  }
0x151: {  	[tilespmem:s10], [sflag:$0x1] =	stream.indirect.gather [hbm4b:s29+s6], $0x10, s3, s6, $0xb8;
	[tilespmem:$0x14400] =	vst v63  }
0x152: {  	s19 =	simm.s32 $0x300;
	s11 =	simm.s32 $0x5400  }
0x153: {  	[tilespmem:s11], [sflag:$0x1] =	stream.indirect.gather [hbm4b:s29+s6], $0x10, s19, s6, $0xb8;
	[tilespmem:$0x14400] =	vst v63  }
0x154: {  	s13 =	simm.s32 $0x5C00;
	s5 =	simm.s32 $0x380  }
0x155: {  	[tilespmem:s13], [sflag:$0x1] =	stream.indirect.gather [hbm4b:s29+s6], $0x10, s5, s6, $0xb8;
	[tilespmem:$0x14400] =	vst v63  }
0x156: {  	s14 =	simm.s32 $0x6400;
	s13 =	simm.s32 $0x400  }
0x157: {  	[tilespmem:s14], [sflag:$0x1] =	stream.indirect.gather [hbm4b:s29+s6], $0x10, s13, s6, $0xb8;
	[tilespmem:$0x14400] =	vst v63  }
0x158: {  	s18 =	simm.s32 $0x6C00;
	s7 =	simm.s32 $0x480  }
0x159: {  	[tilespmem:s18], [sflag:$0x1] =	stream.indirect.gather [hbm4b:s29+s6], $0x10, s7, s6, $0xb8;
	[tilespmem:$0x14400] =	vst v63  }
0x15a: {  	s22 =	simm.s32 $0x7400;
	s10 =	simm.s32 $0x500  }
0x15b: {  	[tilespmem:s22], [sflag:$0x1] =	stream.indirect.gather [hbm4b:s29+s6], $0x10, s10, s6, $0xb8;
	[tilespmem:$0x14400] =	vst v63  }
0x15c: {  	s24 =	simm.s32 $0x7C00;
	s14 =	simm.s32 $0x580  }
0x15d: {  	[tilespmem:s24], [sflag:$0x1] =	stream.indirect.gather [hbm4b:s29+s6], $0x10, s14, s6, $0xb8;
	[tilespmem:$0x14400] =	vst v63  }
0x15e: {  	p2 =	seq.s32 s1, $0x0;
	s1 =	simm.s32 $0x8400;
	s18 =	simm.s32 $0x600  }
0x15f: {  	[tilespmem:s1], [sflag:$0x1] =	stream.indirect.gather [hbm4b:s29+s6], $0x10, s18, s6, $0xb8;
	[tilespmem:$0x14400] =	vst v63  }
0x160: {  	s0 =	simm.s32 $0x680;
	s4 =	simm.s32 $0x8C00  }
0x161: {  	[tilespmem:s4], [sflag:$0x1] =	stream.indirect.gather [hbm4b:s29+s6], $0x10, s0, s6, $0xb8;
	[tilespmem:$0x14400] =	vst v63  }
0x162: {  	s1 =	simm.s32 $0x700;
	s4 =	simm.s32 $0x9400  }
0x163: {  	[tilespmem:s4], [sflag:$0x1] =	stream.indirect.gather [hbm4b:s29+s6], $0x10, s1, s6, $0xb8;
	[tilespmem:$0x14400] =	vst v63  }
0x164: {  	s8 =	simm.s32 $0x9C00;
	s4 =	simm.s32 $0x780  }
0x165: {  	[tilespmem:s8], [sflag:$0x1] =	stream.indirect.gather [hbm4b:s29+s6], $0x10, s4, s6, $0xb8;
	[tilespmem:$0x14400] =	vst v63  }
0x166: {  	s9 =	simm.s32 $0xA400;
	s8 =	simm.s32 $0x800  }
0x167: {  	[tilespmem:s9], [sflag:$0x1] =	stream.indirect.gather [hbm4b:s29+s6], $0x10, s8, s6, $0xb8;
	[tilespmem:$0x14400] =	vst v63  }
0x168: {  	s11 =	simm.s32 $0xAC00;
	s9 =	simm.s32 $0x880  }
0x169: {  	[tilespmem:s11], [sflag:$0x1] =	stream.indirect.gather [hbm4b:s29+s6], $0x10, s9, s6, $0xb8;
	[tilespmem:$0x14400] =	vst v63  }
0x16a: {  	s11 =	simm.s32 $0x1  }
0x16b: {  	_ =	swait.ge [sflag:s11], $0x9000  }
0x16c: {  	s22 =	rddreg [dreg:$0x4];
	[sflag:s11] =	ssyncset.done $0x0  }
0x16d: {  	s16 =	simm.s32 $0x2400;
	[sflag:s11] =	ssyncadd.s32 $0xFFFF7000;
	s22 =	sadd.s32 s23, s22  }
0x16e: {  	[hbm4b:s22+s6] =	stream.indirect.scatter [tilespmem:s16], [sflag:$0x2], $0x10, s31, s6, $0xb8;
	[tilespmem:$0x14400] =	vst v63  }
0x16f: {  	s12 =	simm.s32 $0x2C00  }
0x170: {  	[hbm4b:s22+s6] =	stream.indirect.scatter [tilespmem:s12], [sflag:$0x2], $0x10, s6, s6, $0xb8;
	[tilespmem:$0x14400] =	vst v63  }
0x171: {  	s17 =	simm.s32 $0x3400  }
0x172: {  	[hbm4b:s22+s6] =	stream.indirect.scatter [tilespmem:s17], [sflag:$0x2], $0x10, s2, s6, $0xb8;
	[tilespmem:$0x14400] =	vst v63  }
0x173: {  	s20 =	simm.s32 $0x3C00  }
0x174: {  	[hbm4b:s22+s6] =	stream.indirect.scatter [tilespmem:s20], [sflag:$0x2], $0x10, s15, s6, $0xb8;
	[tilespmem:$0x14400] =	vst v63  }
0x175: {  	s21 =	simm.s32 $0x4400  }
0x176: {  	[hbm4b:s22+s6] =	stream.indirect.scatter [tilespmem:s21], [sflag:$0x2], $0x10, s25, s6, $0xb8;
	[tilespmem:$0x14400] =	vst v63  }
0x177: {  	s28 =	simm.s32 $0x4C00  }
0x178: {  	[hbm4b:s22+s6] =	stream.indirect.scatter [tilespmem:s28], [sflag:$0x2], $0x10, s3, s6, $0xb8;
	[tilespmem:$0x14400] =	vst v63  }
0x179: {  	s30 =	simm.s32 $0x5400  }
0x17a: {  	[hbm4b:s22+s6] =	stream.indirect.scatter [tilespmem:s30], [sflag:$0x2], $0x10, s19, s6, $0xb8;
	[tilespmem:$0x14400] =	vst v63  }
0x17b: {  	s26 =	simm.s32 $0x5C00  }
0x17c: {  	[hbm4b:s22+s6] =	stream.indirect.scatter [tilespmem:s26], [sflag:$0x2], $0x10, s5, s6, $0xb8;
	[tilespmem:$0x14400] =	vst v63  }
0x17d: {  	s5 =	simm.s32 $0x6400  }
0x17e: {  	[hbm4b:s22+s6] =	stream.indirect.scatter [tilespmem:s5], [sflag:$0x2], $0x10, s13, s6, $0xb8;
	[tilespmem:$0x14400] =	vst v63  }
0x17f: {  	s11 =	simm.s32 $0x6C00  }
0x180: {  	[hbm4b:s22+s6] =	stream.indirect.scatter [tilespmem:s11], [sflag:$0x2], $0x10, s7, s6, $0xb8;
	[tilespmem:$0x14400] =	vst v63  }
0x181: {  	s12 =	simm.s32 $0x7400  }
0x182: {  	[hbm4b:s22+s6] =	stream.indirect.scatter [tilespmem:s12], [sflag:$0x2], $0x10, s10, s6, $0xb8;
	[tilespmem:$0x14400] =	vst v63  }
0x183: {  	s13 =	simm.s32 $0x7C00  }
0x184: {  	[hbm4b:s22+s6] =	stream.indirect.scatter [tilespmem:s13], [sflag:$0x2], $0x10, s14, s6, $0xb8;
	[tilespmem:$0x14400] =	vst v63  }
0x185: {  	s15 =	simm.s32 $0x8400  }
0x186: {  	[hbm4b:s22+s6] =	stream.indirect.scatter [tilespmem:s15], [sflag:$0x2], $0x10, s18, s6, $0xb8;
	[tilespmem:$0x14400] =	vst v63  }
0x187: {  	s16 =	simm.s32 $0x8C00  }
0x188: {  	[hbm4b:s22+s6] =	stream.indirect.scatter [tilespmem:s16], [sflag:$0x2], $0x10, s0, s6, $0xb8;
	[tilespmem:$0x14400] =	vst v63  }
0x189: {  	s17 =	simm.s32 $0x9400  }
0x18a: {  	[hbm4b:s22+s6] =	stream.indirect.scatter [tilespmem:s17], [sflag:$0x2], $0x10, s1, s6, $0xb8;
	[tilespmem:$0x14400] =	vst v63  }
0x18b: {  	s18 =	simm.s32 $0x9C00  }
0x18c: {  	[hbm4b:s22+s6] =	stream.indirect.scatter [tilespmem:s18], [sflag:$0x2], $0x10, s4, s6, $0xb8;
	[tilespmem:$0x14400] =	vst v63  }
0x18d: {  	s19 =	simm.s32 $0xA400  }
0x18e: {  	[hbm4b:s22+s6] =	stream.indirect.scatter [tilespmem:s19], [sflag:$0x2], $0x10, s8, s6, $0xb8;
	[tilespmem:$0x14400] =	vst v63  }
0x18f: {  	s24 =	simm.s32 $0xAC00;
	s31 =	simm.s32 @!p0 $0x3  }
0x190: {  	[hbm4b:s22+s6] =	stream.indirect.scatter [tilespmem:s24], [sflag:$0x2], $0x10, s9, s6, $0xb8;
	[tilespmem:$0x14400] =	vst v63  }
0x191: {  	_ =	swait.ge @!p0 [sflag:s31], $0x9000  }
0x192: {  	[sflag:s31] =	ssyncset.done @!p0 $0x0  }
0x193: {  	s20 =	simm.s32 $0xB400;
	s0 =	simm.s32 $0x900;
	[sflag:s31] =	ssyncadd.s32 @!p0 $0xFFFF7000  }
0x194: {  	[tilespmem:s20], [sflag:$0x1] =	stream.indirect.gather [hbm4b:s29+s6], $0x10, s0, s6, $0xb8;
	[tilespmem:$0x14400] =	vst v63  }
0x195: {  	s2 =	simm.s32 $0x980;
	s21 =	simm.s32 $0xBC00  }
0x196: {  	[tilespmem:s21], [sflag:$0x1] =	stream.indirect.gather [hbm4b:s29+s6], $0x10, s2, s6, $0xb8;
	[tilespmem:$0x14400] =	vst v63  }
0x197: {  	s4 =	simm.s32 $0xA00;
	s24 =	simm.s32 $0xC400  }
0x198: {  	[tilespmem:s24], [sflag:$0x1] =	stream.indirect.gather [hbm4b:s29+s6], $0x10, s4, s6, $0xb8;
	[tilespmem:$0x14400] =	vst v63  }
0x199: {  	s25 =	simm.s32 $0xCC00;
	s7 =	simm.s32 $0xA80  }
0x19a: {  	[tilespmem:s25], [sflag:$0x1] =	stream.indirect.gather [hbm4b:s29+s6], $0x10, s7, s6, $0xb8;
	[tilespmem:$0x14400] =	vst v63  }
0x19b: {  	s28 =	simm.s32 $0xD400;
	s9 =	simm.s32 $0xB00  }
0x19c: {  	[tilespmem:s28], [sflag:$0x1] =	stream.indirect.gather [hbm4b:s29+s6], $0x10, s9, s6, $0xb8;
	[tilespmem:$0x14400] =	vst v63  }
0x19d: {  	s30 =	simm.s32 $0xDC00;
	s13 =	simm.s32 $0xB80  }
0x19e: {  	[tilespmem:s30], [sflag:$0x1] =	stream.indirect.gather [hbm4b:s29+s6], $0x10, s13, s6, $0xb8;
	[tilespmem:$0x14400] =	vst v63  }
0x19f: {  	s15 =	simm.s32 $0xC00;
	s31 =	simm.s32 $0xE400  }
0x1a0: {  	[tilespmem:s31], [sflag:$0x1] =	stream.indirect.gather [hbm4b:s29+s6], $0x10, s15, s6, $0xb8;
	[tilespmem:$0x14400] =	vst v63  }
0x1a1: {  	s3 =	simm.s32 $0xEC00;
	s19 =	simm.s32 $0xC80  }
0x1a2: {  	[tilespmem:s3], [sflag:$0x1] =	stream.indirect.gather [hbm4b:s29+s6], $0x10, s19, s6, $0xb8;
	[tilespmem:$0x14400] =	vst v63  }
0x1a3: {  	s5 =	simm.s32 $0xF400;
	s31 =	simm.s32 $0xD00  }
0x1a4: {  	[tilespmem:s5], [sflag:$0x1] =	stream.indirect.gather [hbm4b:s29+s6], $0x10, s31, s6, $0xb8;
	[tilespmem:$0x14400] =	vst v63  }
0x1a5: {  	s1 =	simm.s32 $0xD80;
	s8 =	simm.s32 $0xFC00  }
0x1a6: {  	[tilespmem:s8], [sflag:$0x1] =	stream.indirect.gather [hbm4b:s29+s6], $0x10, s1, s6, $0xb8;
	[tilespmem:$0x14400] =	vst v63  }
0x1a7: {  	s10 =	simm.s32 $0x10400;
	s3 =	simm.s32 $0xE00  }
0x1a8: {  	[tilespmem:s10], [sflag:$0x1] =	stream.indirect.gather [hbm4b:s29+s6], $0x10, s3, s6, $0xb8;
	[tilespmem:$0x14400] =	vst v63  }
0x1a9: {  	s11 =	simm.s32 $0x10C00;
	s5 =	simm.s32 $0xE80  }
0x1aa: {  	[tilespmem:s11], [sflag:$0x1] =	stream.indirect.gather [hbm4b:s29+s6], $0x10, s5, s6, $0xb8;
	[tilespmem:$0x14400] =	vst v63  }
0x1ab: {  	s12 =	simm.s32 $0x11400;
	s8 =	simm.s32 $0xF00  }
0x1ac: {  	[tilespmem:s12], [sflag:$0x1] =	stream.indirect.gather [hbm4b:s29+s6], $0x10, s8, s6, $0xb8;
	[tilespmem:$0x14400] =	vst v63  }
0x1ad: {  	s14 =	simm.s32 $0x11C00;
	s10 =	simm.s32 $0xF80  }
0x1ae: {  	[tilespmem:s14], [sflag:$0x1] =	stream.indirect.gather [hbm4b:s29+s6], $0x10, s10, s6, $0xb8;
	[tilespmem:$0x14400] =	vst v63  }
0x1af: {  	s16 =	simm.s32 $0x12400;
	s20 =	simm.s32 $0x1000  }
0x1b0: {  	[tilespmem:s16], [sflag:$0x1] =	stream.indirect.gather [hbm4b:s29+s6], $0x10, s20, s6, $0xb8;
	[tilespmem:$0x14400] =	vst v63  }
0x1b1: {  	s17 =	simm.s32 $0x12C00;
	s12 =	simm.s32 $0x1080  }
0x1b2: {  	[tilespmem:s17], [sflag:$0x1] =	stream.indirect.gather [hbm4b:s29+s6], $0x10, s12, s6, $0xb8;
	[tilespmem:$0x14400] =	vst v63  }
0x1b3: {  	s21 =	simm.s32 $0x13400;
	s16 =	simm.s32 $0x1100  }
0x1b4: {  	[tilespmem:s21], [sflag:$0x1] =	stream.indirect.gather [hbm4b:s29+s6], $0x10, s16, s6, $0xb8;
	[tilespmem:$0x14400] =	vst v63  }
0x1b5: {  	s17 =	simm.s32 $0x1180;
	s21 =	simm.s32 $0x13C00  }
0x1b6: {  	[tilespmem:s21], [sflag:$0x1] =	stream.indirect.gather [hbm4b:s29+s6], $0x10, s17, s6, $0xb8;
	[tilespmem:$0x14400] =	vst v63  }
0x1b7: {  	s29 =	simm.s32 $0x1  }
0x1b8: {  	_ =	swait.ge [sflag:s29], $0x9000  }
0x1b9: {  	[sflag:s29] =	ssyncset.done $0x0  }
0x1ba: {  	s18 =	simm.s32 $0xB400;
	[sflag:s29] =	ssyncadd.s32 $0xFFFF7000  }
0x1bb: {  	[hbm4b:s22+s6] =	stream.indirect.scatter [tilespmem:s18], [sflag:$0x3], $0x10, s0, s6, $0xb8;
	[tilespmem:$0x14400] =	vst v63  }
0x1bc: {  	s26 =	simm.s32 $0xBC00  }
0x1bd: {  	[hbm4b:s22+s6] =	stream.indirect.scatter [tilespmem:s26], [sflag:$0x3], $0x10, s2, s6, $0xb8;
	[tilespmem:$0x14400] =	vst v63  }
0x1be: {  	s2 =	simm.s32 $0xC400  }
0x1bf: {  	[hbm4b:s22+s6] =	stream.indirect.scatter [tilespmem:s2], [sflag:$0x3], $0x10, s4, s6, $0xb8;
	[tilespmem:$0x14400] =	vst v63  }
0x1c0: {  	s25 =	simm.s32 $0xCC00  }
0x1c1: {  	[hbm4b:s22+s6] =	stream.indirect.scatter [tilespmem:s25], [sflag:$0x3], $0x10, s7, s6, $0xb8;
	[tilespmem:$0x14400] =	vst v63  }
0x1c2: {  	s28 =	simm.s32 $0xD400  }
0x1c3: {  	[hbm4b:s22+s6] =	stream.indirect.scatter [tilespmem:s28], [sflag:$0x3], $0x10, s9, s6, $0xb8;
	[tilespmem:$0x14400] =	vst v63  }
0x1c4: {  	s30 =	simm.s32 $0xDC00  }
0x1c5: {  	[hbm4b:s22+s6] =	stream.indirect.scatter [tilespmem:s30], [sflag:$0x3], $0x10, s13, s6, $0xb8;
	[tilespmem:$0x14400] =	vst v63  }
0x1c6: {  	s24 =	simm.s32 $0xE400  }
0x1c7: {  	[hbm4b:s22+s6] =	stream.indirect.scatter [tilespmem:s24], [sflag:$0x3], $0x10, s15, s6, $0xb8;
	[tilespmem:$0x14400] =	vst v63  }
0x1c8: {  	s4 =	simm.s32 $0xEC00  }
0x1c9: {  	[hbm4b:s22+s6] =	stream.indirect.scatter [tilespmem:s4], [sflag:$0x3], $0x10, s19, s6, $0xb8;
	[tilespmem:$0x14400] =	vst v63  }
0x1ca: {  	s7 =	simm.s32 $0xF400  }
0x1cb: {  	[hbm4b:s22+s6] =	stream.indirect.scatter [tilespmem:s7], [sflag:$0x3], $0x10, s31, s6, $0xb8;
	[tilespmem:$0x14400] =	vst v63  }
0x1cc: {  	s9 =	simm.s32 $0xFC00  }
0x1cd: {  	[hbm4b:s22+s6] =	stream.indirect.scatter [tilespmem:s9], [sflag:$0x3], $0x10, s1, s6, $0xb8;
	[tilespmem:$0x14400] =	vst v63  }
0x1ce: {  	s11 =	simm.s32 $0x10400  }
0x1cf: {  	[hbm4b:s22+s6] =	stream.indirect.scatter [tilespmem:s11], [sflag:$0x3], $0x10, s3, s6, $0xb8;
	[tilespmem:$0x14400] =	vst v63  }
0x1d0: {  	s13 =	simm.s32 $0x10C00  }
0x1d1: {  	[hbm4b:s22+s6] =	stream.indirect.scatter [tilespmem:s13], [sflag:$0x3], $0x10, s5, s6, $0xb8;
	[tilespmem:$0x14400] =	vst v63  }
0x1d2: {  	s15 =	simm.s32 $0x11400  }
0x1d3: {  	[hbm4b:s22+s6] =	stream.indirect.scatter [tilespmem:s15], [sflag:$0x3], $0x10, s8, s6, $0xb8;
	[tilespmem:$0x14400] =	vst v63  }
0x1d4: {  	s18 =	simm.s32 $0x11C00  }
0x1d5: {  	[hbm4b:s22+s6] =	stream.indirect.scatter [tilespmem:s18], [sflag:$0x3], $0x10, s10, s6, $0xb8;
	[tilespmem:$0x14400] =	vst v63  }
0x1d6: {  	s19 =	simm.s32 $0x12400  }
0x1d7: {  	[hbm4b:s22+s6] =	stream.indirect.scatter [tilespmem:s19], [sflag:$0x3], $0x10, s20, s6, $0xb8;
	[tilespmem:$0x14400] =	vst v63  }
0x1d8: {  	s24 =	simm.s32 $0x12C00  }
0x1d9: {  	[hbm4b:s22+s6] =	stream.indirect.scatter [tilespmem:s24], [sflag:$0x3], $0x10, s12, s6, $0xb8;
	[tilespmem:$0x14400] =	vst v63  }
0x1da: {  	s14 =	simm.s32 $0x13400  }
0x1db: {  	[hbm4b:s22+s6] =	stream.indirect.scatter [tilespmem:s14], [sflag:$0x3], $0x10, s16, s6, $0xb8;
	[tilespmem:$0x14400] =	vst v63  }
0x1dc: {  	s25 =	simm.s32 $0x2  }
0x1dd: {  	[hbm4b:s22+s6] =	stream.indirect.scatter [tilespmem:s21], [sflag:$0x3], $0x10, s17, s6, $0xb8;
	[tilespmem:$0x14400] =	vst v63  }
0x1de: {  	_ =	swait.ge [sflag:s25], $0x9000  }
0x1df: {  	s11 =	simm.s32 $0x1200;
	s26 =	rddreg [dreg:$0x3];
	[sflag:s25] =	ssyncset.done $0x0  }
0x1e0: {  	[sflag:s25] =	ssyncadd.s32 $0xFFFF7000;
	s29 =	sadd.s32 s23, s26;
	s25 =	simm.s32 $0x2400  }
0x1e1: {  	[tilespmem:s25], [sflag:$0x1] =	stream.indirect.gather [hbm4b:s29+s6], $0x10, s11, s6, $0xb8;
	[tilespmem:$0x14400] =	vst v63  }
0x1e2: {  	s31 =	simm.s32 $0x1280;
	s21 =	simm.s32 $0x2C00;
	s28 =	rddreg [dreg:$0x6]  }
0x1e3: {  	[tilespmem:s21], [sflag:$0x1] =	stream.indirect.gather [hbm4b:s29+s6], $0x10, s31, s6, $0xb8;
	[tilespmem:$0x14400] =	vst v63  }
0x1e4: {  	s1 =	simm.s32 $0x1300;
	s30 =	smov.u32 s28;
	s28 =	simm.s32 $0x3400  }
0x1e5: {  	[tilespmem:s28], [sflag:$0x1] =	stream.indirect.gather [hbm4b:s29+s6], $0x10, s1, s6, $0xb8;
	[tilespmem:$0x14400] =	vst v63  }
0x1e6: {  	s2 =	simm.s32 $0x1380;
	[dreg:$0x7] =	wrdreg s30;
	s30 =	simm.s32 $0x3C00  }
0x1e7: {  	[tilespmem:s30], [sflag:$0x1] =	stream.indirect.gather [hbm4b:s29+s6], $0x10, s2, s6, $0xb8;
	[tilespmem:$0x14400] =	vst v63  }
0x1e8: {  	s3 =	simm.s32 $0x1400;
	s18 =	simm.s32 $0x4400  }
0x1e9: {  	[tilespmem:s18], [sflag:$0x1] =	stream.indirect.gather [hbm4b:s29+s6], $0x10, s3, s6, $0xb8;
	[tilespmem:$0x14400] =	vst v63  }
0x1ea: {  	s4 =	simm.s32 $0x1480;
	s24 =	simm.s32 $0x4C00  }
0x1eb: {  	[tilespmem:s24], [sflag:$0x1] =	stream.indirect.gather [hbm4b:s29+s6], $0x10, s4, s6, $0xb8;
	[tilespmem:$0x14400] =	vst v63  }
0x1ec: {  	s5 =	simm.s32 $0x1500;
	s10 =	simm.s32 $0x5400  }
0x1ed: {  	[tilespmem:s10], [sflag:$0x1] =	stream.indirect.gather [hbm4b:s29+s6], $0x10, s5, s6, $0xb8;
	[tilespmem:$0x14400] =	vst v63  }
0x1ee: {  	s7 =	simm.s32 $0x1580;
	s23 =	simm.s32 $0x5C00  }
0x1ef: {  	[tilespmem:s23], [sflag:$0x1] =	stream.indirect.gather [hbm4b:s29+s6], $0x10, s7, s6, $0xb8;
	[tilespmem:$0x14400] =	vst v63  }
0x1f0: {  	s8 =	simm.s32 $0x1600;
	s31 =	simm.s32 $0x6400  }
0x1f1: {  	[tilespmem:s31], [sflag:$0x1] =	stream.indirect.gather [hbm4b:s29+s6], $0x10, s8, s6, $0xb8;
	[tilespmem:$0x14400] =	vst v63  }
0x1f2: {  	s9 =	simm.s32 $0x1680;
	s14 =	simm.s32 $0x6C00  }
0x1f3: {  	[tilespmem:s14], [sflag:$0x1] =	stream.indirect.gather [hbm4b:s29+s6], $0x10, s9, s6, $0xb8;
	[tilespmem:$0x14400] =	vst v63  }
0x1f4: {  	s12 =	simm.s32 $0x1700;
	s1 =	simm.s32 $0x7400  }
0x1f5: {  	[tilespmem:s1], [sflag:$0x1] =	stream.indirect.gather [hbm4b:s29+s6], $0x10, s12, s6, $0xb8;
	[tilespmem:$0x14400] =	vst v63  }
0x1f6: {  	s13 =	simm.s32 $0x1780;
	s2 =	simm.s32 $0x7C00  }
0x1f7: {  	[tilespmem:s2], [sflag:$0x1] =	stream.indirect.gather [hbm4b:s29+s6], $0x10, s13, s6, $0xb8;
	[tilespmem:$0x14400] =	vst v63  }
0x1f8: {  	s15 =	simm.s32 $0x1800;
	s3 =	simm.s32 $0x8400  }
0x1f9: {  	[tilespmem:s3], [sflag:$0x1] =	stream.indirect.gather [hbm4b:s29+s6], $0x10, s15, s6, $0xb8;
	[tilespmem:$0x14400] =	vst v63  }
0x1fa: {  	s16 =	simm.s32 $0x1880;
	s4 =	simm.s32 $0x8C00  }
0x1fb: {  	[tilespmem:s4], [sflag:$0x1] =	stream.indirect.gather [hbm4b:s29+s6], $0x10, s16, s6, $0xb8;
	[tilespmem:$0x14400] =	vst v63  }
0x1fc: {  	s17 =	simm.s32 $0x1900;
	s5 =	simm.s32 $0x9400  }
0x1fd: {  	[tilespmem:s5], [sflag:$0x1] =	stream.indirect.gather [hbm4b:s29+s6], $0x10, s17, s6, $0xb8;
	[tilespmem:$0x14400] =	vst v63  }
0x1fe: {  	s19 =	simm.s32 $0x1980;
	s7 =	simm.s32 $0x9C00  }
0x1ff: {  	[tilespmem:s7], [sflag:$0x1] =	stream.indirect.gather [hbm4b:s29+s6], $0x10, s19, s6, $0xb8;
	[tilespmem:$0x14400] =	vst v63  }
0x200: {  	s20 =	simm.s32 $0x1A00;
	s8 =	simm.s32 $0xA400  }
0x201: {  	[tilespmem:s8], [sflag:$0x1] =	stream.indirect.gather [hbm4b:s29+s6], $0x10, s20, s6, $0xb8;
	[tilespmem:$0x14400] =	vst v63  }
0x202: {  	s0 =	simm.s32 $0x1;
	s26 =	simm.s32 $0x1A80;
	s9 =	simm.s32 $0xAC00  }
0x203: {  	[tilespmem:s9], [sflag:$0x1] =	stream.indirect.gather [hbm4b:s29+s6], $0x10, s26, s6, $0xb8;
	[tilespmem:$0x14400] =	vst v63  }
0x204: {  	_ =	swait.ge [sflag:s0], $0x9000  }
0x205: {  	[sflag:s0] =	ssyncset.done $0x0  }
0x206: {  	[sflag:s0] =	ssyncadd.s32 $0xFFFF7000  }
0x207: {  	[hbm4b:s22+s6] =	stream.indirect.scatter [tilespmem:s25], [sflag:$0x2], $0x10, s11, s6, $0xb8;
	[tilespmem:$0x14400] =	vst v63  }
0x208: {  	s11 =	simm.s32 $0x1280  }
0x209: {  	[hbm4b:s22+s6] =	stream.indirect.scatter [tilespmem:s21], [sflag:$0x2], $0x10, s11, s6, $0xb8;
	[tilespmem:$0x14400] =	vst v63  }
0x20a: {  	s25 =	simm.s32 $0x1300  }
0x20b: {  	[hbm4b:s22+s6] =	stream.indirect.scatter [tilespmem:s28], [sflag:$0x2], $0x10, s25, s6, $0xb8;
	[tilespmem:$0x14400] =	vst v63  }
0x20c: {  	s11 =	simm.s32 $0x1380  }
0x20d: {  	[hbm4b:s22+s6] =	stream.indirect.scatter [tilespmem:s30], [sflag:$0x2], $0x10, s11, s6, $0xb8;
	[tilespmem:$0x14400] =	vst v63  }
0x20e: {  	s21 =	simm.s32 $0x1400  }
0x20f: {  	[hbm4b:s22+s6] =	stream.indirect.scatter [tilespmem:s18], [sflag:$0x2], $0x10, s21, s6, $0xb8;
	[tilespmem:$0x14400] =	vst v63  }
0x210: {  	s25 =	simm.s32 $0x1480  }
0x211: {  	[hbm4b:s22+s6] =	stream.indirect.scatter [tilespmem:s24], [sflag:$0x2], $0x10, s25, s6, $0xb8;
	[tilespmem:$0x14400] =	vst v63  }
0x212: {  	s28 =	simm.s32 $0x1500  }
0x213: {  	[hbm4b:s22+s6] =	stream.indirect.scatter [tilespmem:s10], [sflag:$0x2], $0x10, s28, s6, $0xb8;
	[tilespmem:$0x14400] =	vst v63  }
0x214: {  	s30 =	simm.s32 $0x1580  }
0x215: {  	[hbm4b:s22+s6] =	stream.indirect.scatter [tilespmem:s23], [sflag:$0x2], $0x10, s30, s6, $0xb8;
	[tilespmem:$0x14400] =	vst v63  }
0x216: {  	s10 =	simm.s32 $0x1600  }
0x217: {  	[hbm4b:s22+s6] =	stream.indirect.scatter [tilespmem:s31], [sflag:$0x2], $0x10, s10, s6, $0xb8;
	[tilespmem:$0x14400] =	vst v63  }
0x218: {  	s11 =	simm.s32 $0x1680  }
0x219: {  	[hbm4b:s22+s6] =	stream.indirect.scatter [tilespmem:s14], [sflag:$0x2], $0x10, s11, s6, $0xb8;
	[tilespmem:$0x14400] =	vst v63  }
0x21a: {  	_ = 	snop  }
0x21b: {  	[hbm4b:s22+s6] =	stream.indirect.scatter [tilespmem:s1], [sflag:$0x2], $0x10, s12, s6, $0xb8;
	[tilespmem:$0x14400] =	vst v63  }
0x21c: {  	_ = 	snop  }
0x21d: {  	[hbm4b:s22+s6] =	stream.indirect.scatter [tilespmem:s2], [sflag:$0x2], $0x10, s13, s6, $0xb8;
	[tilespmem:$0x14400] =	vst v63  }
0x21e: {  	_ = 	snop  }
0x21f: {  	[hbm4b:s22+s6] =	stream.indirect.scatter [tilespmem:s3], [sflag:$0x2], $0x10, s15, s6, $0xb8;
	[tilespmem:$0x14400] =	vst v63  }
0x220: {  	_ = 	snop  }
0x221: {  	[hbm4b:s22+s6] =	stream.indirect.scatter [tilespmem:s4], [sflag:$0x2], $0x10, s16, s6, $0xb8;
	[tilespmem:$0x14400] =	vst v63  }
0x222: {  	_ = 	snop  }
0x223: {  	[hbm4b:s22+s6] =	stream.indirect.scatter [tilespmem:s5], [sflag:$0x2], $0x10, s17, s6, $0xb8;
	[tilespmem:$0x14400] =	vst v63  }
0x224: {  	_ = 	snop  }
0x225: {  	[hbm4b:s22+s6] =	stream.indirect.scatter [tilespmem:s7], [sflag:$0x2], $0x10, s19, s6, $0xb8;
	[tilespmem:$0x14400] =	vst v63  }
0x226: {  	_ = 	snop  }
0x227: {  	[hbm4b:s22+s6] =	stream.indirect.scatter [tilespmem:s8], [sflag:$0x2], $0x10, s20, s6, $0xb8;
	[tilespmem:$0x14400] =	vst v63  }
0x228: {  	s12 =	simm.s32 $0x3  }
0x229: {  	[hbm4b:s22+s6] =	stream.indirect.scatter [tilespmem:s9], [sflag:$0x2], $0x10, s26, s6, $0xb8;
	[tilespmem:$0x14400] =	vst v63  }
0x22a: {  	_ =	swait.ge [sflag:s12], $0x9000  }
0x22b: {  	[sflag:s12] =	ssyncset.done $0x0  }
0x22c: {  	s14 =	simm.s32 $0xB400;
	s13 =	simm.s32 $0x1B00;
	[sflag:s12] =	ssyncadd.s32 $0xFFFF7000  }
0x22d: {  	[tilespmem:s14], [sflag:$0x1] =	stream.indirect.gather [hbm4b:s29+s6], $0x10, s13, s6, $0xb8;
	[tilespmem:$0x14400] =	vst v63  }
0x22e: {  	s21 =	simm.s32 $0xBC00;
	s15 =	simm.s32 $0x1B80  }
0x22f: {  	[tilespmem:s21], [sflag:$0x1] =	stream.indirect.gather [hbm4b:s29+s6], $0x10, s15, s6, $0xb8;
	[tilespmem:$0x14400] =	vst v63  }
0x230: {  	s2 =	simm.s32 $0xC400;
	s16 =	simm.s32 $0x1C00  }
0x231: {  	[tilespmem:s2], [sflag:$0x1] =	stream.indirect.gather [hbm4b:s29+s6], $0x10, s16, s6, $0xb8;
	[tilespmem:$0x14400] =	vst v63  }
0x232: {  	s23 =	simm.s32 $0xCC00;
	s17 =	simm.s32 $0x1C80  }
0x233: {  	[tilespmem:s23], [sflag:$0x1] =	stream.indirect.gather [hbm4b:s29+s6], $0x10, s17, s6, $0xb8;
	[tilespmem:$0x14400] =	vst v63  }
0x234: {  	s18 =	simm.s32 $0x1D00;
	s25 =	simm.s32 $0xD400  }
0x235: {  	[tilespmem:s25], [sflag:$0x1] =	stream.indirect.gather [hbm4b:s29+s6], $0x10, s18, s6, $0xb8;
	[tilespmem:$0x14400] =	vst v63  }
0x236: {  	s28 =	simm.s32 $0xDC00;
	s19 =	simm.s32 $0x1D80  }
0x237: {  	[tilespmem:s28], [sflag:$0x1] =	stream.indirect.gather [hbm4b:s29+s6], $0x10, s19, s6, $0xb8;
	[tilespmem:$0x14400] =	vst v63  }
0x238: {  	s30 =	simm.s32 $0xE400;
	s20 =	simm.s32 $0x1E00  }
0x239: {  	[tilespmem:s30], [sflag:$0x1] =	stream.indirect.gather [hbm4b:s29+s6], $0x10, s20, s6, $0xb8;
	[tilespmem:$0x14400] =	vst v63  }
0x23a: {  	s24 =	simm.s32 $0x1E80;
	s5 =	simm.s32 $0xEC00  }
0x23b: {  	[tilespmem:s5], [sflag:$0x1] =	stream.indirect.gather [hbm4b:s29+s6], $0x10, s24, s6, $0xb8;
	[tilespmem:$0x14400] =	vst v63  }
0x23c: {  	s31 =	simm.s32 $0xF400;
	s9 =	simm.s32 $0x1F00  }
0x23d: {  	[tilespmem:s31], [sflag:$0x1] =	stream.indirect.gather [hbm4b:s29+s6], $0x10, s9, s6, $0xb8;
	[tilespmem:$0x14400] =	vst v63  }
0x23e: {  	s10 =	simm.s32 $0x1F80;
	s11 =	simm.s32 $0xFC00  }
0x23f: {  	[tilespmem:s11], [sflag:$0x1] =	stream.indirect.gather [hbm4b:s29+s6], $0x10, s10, s6, $0xb8;
	[tilespmem:$0x14400] =	vst v63  }
0x240: {  	s12 =	simm.s32 $0x2000;
	s18 =	simm.s32 $0x10400  }
0x241: {  	[tilespmem:s18], [sflag:$0x1] =	stream.indirect.gather [hbm4b:s29+s6], $0x10, s12, s6, $0xb8;
	[tilespmem:$0x14400] =	vst v63  }
0x242: {  	s7 =	simm.s32 $0x10C00;
	s13 =	simm.s32 $0x2080  }
0x243: {  	[tilespmem:s7], [sflag:$0x1] =	stream.indirect.gather [hbm4b:s29+s6], $0x10, s13, s6, $0xb8;
	[tilespmem:$0x14400] =	vst v63  }
0x244: {  	s15 =	simm.s32 $0x2100;
	s24 =	simm.s32 $0x11400  }
0x245: {  	[tilespmem:s24], [sflag:$0x1] =	stream.indirect.gather [hbm4b:s29+s6], $0x10, s15, s6, $0xb8;
	[tilespmem:$0x14400] =	vst v63  }
0x246: {  	s0 =	simm.s32 $0x11C00;
	s16 =	simm.s32 $0x2180  }
0x247: {  	[tilespmem:s0], [sflag:$0x1] =	stream.indirect.gather [hbm4b:s29+s6], $0x10, s16, s6, $0xb8;
	[tilespmem:$0x14400] =	vst v63  }
0x248: {  	s1 =	simm.s32 $0x12400;
	s17 =	simm.s32 $0x2200  }
0x249: {  	[tilespmem:s1], [sflag:$0x1] =	stream.indirect.gather [hbm4b:s29+s6], $0x10, s17, s6, $0xb8;
	[tilespmem:$0x14400] =	vst v63  }
0x24a: {  	s3 =	simm.s32 $0x12C00;
	s19 =	simm.s32 $0x2280  }
0x24b: {  	[tilespmem:s3], [sflag:$0x1] =	stream.indirect.gather [hbm4b:s29+s6], $0x10, s19, s6, $0xb8;
	[tilespmem:$0x14400] =	vst v63  }
0x24c: {  	s4 =	simm.s32 $0x13400;
	s20 =	simm.s32 $0x2300  }
0x24d: {  	[tilespmem:s4], [sflag:$0x1] =	stream.indirect.gather [hbm4b:s29+s6], $0x10, s20, s6, $0xb8;
	[tilespmem:$0x14400] =	vst v63  }
0x24e: {  	s8 =	simm.s32 $0x13C00;
	s26 =	simm.s32 $0x2380  }
0x24f: {  	[tilespmem:s8], [sflag:$0x1] =	stream.indirect.gather [hbm4b:s29+s6], $0x10, s26, s6, $0xb8;
	[tilespmem:$0x14400] =	vst v63  }
0x250: {  	s26 =	simm.s32 $0x1  }
0x251: {  	_ =	swait.ge [sflag:s26], $0x9000  }
0x252: {  	s29 =	simm.s32 $0x1;
	[sflag:s26] =	ssyncset.done $0x0  }
0x253: {  	s26 =	simm.s32 $0x1B00;
	[sflag:s29] =	ssyncadd.s32 $0xFFFF7000  }
0x254: {  	[hbm4b:s22+s6] =	stream.indirect.scatter [tilespmem:s14], [sflag:$0x3], $0x10, s26, s6, $0xb8;
	[tilespmem:$0x14400] =	vst v63  }
0x255: {  	s29 =	simm.s32 $0x1B80  }
0x256: {  	[hbm4b:s22+s6] =	stream.indirect.scatter [tilespmem:s21], [sflag:$0x3], $0x10, s29, s6, $0xb8;
	[tilespmem:$0x14400] =	vst v63  }
0x257: {  	s14 =	simm.s32 $0x1C00  }
0x258: {  	[hbm4b:s22+s6] =	stream.indirect.scatter [tilespmem:s2], [sflag:$0x3], $0x10, s14, s6, $0xb8;
	[tilespmem:$0x14400] =	vst v63  }
0x259: {  	s21 =	simm.s32 $0x1C80  }
0x25a: {  	[hbm4b:s22+s6] =	stream.indirect.scatter [tilespmem:s23], [sflag:$0x3], $0x10, s21, s6, $0xb8;
	[tilespmem:$0x14400] =	vst v63  }
0x25b: {  	s23 =	simm.s32 $0x1D00  }
0x25c: {  	[hbm4b:s22+s6] =	stream.indirect.scatter [tilespmem:s25], [sflag:$0x3], $0x10, s23, s6, $0xb8;
	[tilespmem:$0x14400] =	vst v63  }
0x25d: {  	s26 =	simm.s32 $0x1D80  }
0x25e: {  	[hbm4b:s22+s6] =	stream.indirect.scatter [tilespmem:s28], [sflag:$0x3], $0x10, s26, s6, $0xb8;
	[tilespmem:$0x14400] =	vst v63  }
0x25f: {  	s29 =	simm.s32 $0x1E00  }
0x260: {  	[hbm4b:s22+s6] =	stream.indirect.scatter [tilespmem:s30], [sflag:$0x3], $0x10, s29, s6, $0xb8;
	[tilespmem:$0x14400] =	vst v63  }
0x261: {  	s30 =	simm.s32 $0x1E80  }
0x262: {  	[hbm4b:s22+s6] =	stream.indirect.scatter [tilespmem:s5], [sflag:$0x3], $0x10, s30, s6, $0xb8;
	[tilespmem:$0x14400] =	vst v63  }
0x263: {  	_ = 	snop  }
0x264: {  	[hbm4b:s22+s6] =	stream.indirect.scatter [tilespmem:s31], [sflag:$0x3], $0x10, s9, s6, $0xb8;
	[tilespmem:$0x14400] =	vst v63  }
0x265: {  	_ = 	snop  }
0x266: {  	[hbm4b:s22+s6] =	stream.indirect.scatter [tilespmem:s11], [sflag:$0x3], $0x10, s10, s6, $0xb8;
	[tilespmem:$0x14400] =	vst v63  }
0x267: {  	_ = 	snop  }
0x268: {  	[hbm4b:s22+s6] =	stream.indirect.scatter [tilespmem:s18], [sflag:$0x3], $0x10, s12, s6, $0xb8;
	[tilespmem:$0x14400] =	vst v63  }
0x269: {  	_ = 	snop  }
0x26a: {  	[hbm4b:s22+s6] =	stream.indirect.scatter [tilespmem:s7], [sflag:$0x3], $0x10, s13, s6, $0xb8;
	[tilespmem:$0x14400] =	vst v63  }
0x26b: {  	_ = 	snop  }
0x26c: {  	[hbm4b:s22+s6] =	stream.indirect.scatter [tilespmem:s24], [sflag:$0x3], $0x10, s15, s6, $0xb8;
	[tilespmem:$0x14400] =	vst v63  }
0x26d: {  	_ = 	snop  }
0x26e: {  	[hbm4b:s22+s6] =	stream.indirect.scatter [tilespmem:s0], [sflag:$0x3], $0x10, s16, s6, $0xb8;
	[tilespmem:$0x14400] =	vst v63  }
0x26f: {  	_ = 	snop  }
0x270: {  	[hbm4b:s22+s6] =	stream.indirect.scatter [tilespmem:s1], [sflag:$0x3], $0x10, s17, s6, $0xb8;
	[tilespmem:$0x14400] =	vst v63  }
.Ltmp0:
0x271: {  	_ = 	snop;
	(pc) =	sbr.rel @p1 .LBB2_2-.Ltmp0, $4  }
0x272: {  	_ = 	snop  }
0x273: {  	[hbm4b:s22+s6] =	stream.indirect.scatter [tilespmem:s3], [sflag:$0x3], $0x10, s19, s6, $0xb8;
	[tilespmem:$0x14400] =	vst v63  }
0x274: {  	p0 =	por p2, p2;
	s2 =	rddreg [dreg:$0x8]  }
0x275: {  	[hbm4b:s22+s6] =	stream.indirect.scatter [tilespmem:s4], [sflag:$0x3], $0x10, s20, s6, $0xb8;
	[tilespmem:$0x14400] =	vst v63  }
0x276: {  	s1 =	simm.s32 $0x13C00;
	s0 =	simm.s32 $0x2380  }
0x277: {  	[hbm4b:s22+s6] =	stream.indirect.scatter [tilespmem:s1], [sflag:$0x3], $0x10, s0, s6, $0xb8;
	[tilespmem:$0x14400] =	vst v63  }
0x278: {  	s22 =	simm.s32 @!p0 $0x2  }
0x279: {  	_ =	swait.ge @!p0 [sflag:s22], $0x9000  }
0x27a: {  	s24 =	rddreg [dreg:$0x5]  }
0x27b: {  	s26 =	simm.s32 $0x0;
	[sflag:s22] =	ssyncset.done @!p0 $0x0;
	s21 =	rddreg [dreg:$0x7]  }
0x27c: {  	s18 =	simm.s32 $0x2400;
	[sflag:s22] =	ssyncadd.s32 @!p0 $0xFFFF7000;
	s24 =	sadd.s32 s21, s24  }
0x27d: {  	[tilespmem:s18], [sflag:$0x1] =	stream.indirect.gather [hbm4b:s24+s6], $0x10, s26, s6, $0xb8;
	[tilespmem:$0x14400] =	vst v63  }
0x27e: {  	s19 =	simm.s32 $0x2C00  }
0x27f: {  	[tilespmem:s19], [sflag:$0x1] =	stream.indirect.gather [hbm4b:s24+s6], $0x10, s6, s6, $0xb8;
	[tilespmem:$0x14400] =	vst v63  }
0x280: {  	s2 =	simm.s32 $0x100;
	s20 =	simm.s32 $0x3400  }
0x281: {  	[tilespmem:s20], [sflag:$0x1] =	stream.indirect.gather [hbm4b:s24+s6], $0x10, s2, s6, $0xb8;
	[tilespmem:$0x14400] =	vst v63  }
0x282: {  	s15 =	simm.s32 $0x180;
	s22 =	simm.s32 $0x3C00  }
0x283: {  	[tilespmem:s22], [sflag:$0x1] =	stream.indirect.gather [hbm4b:s24+s6], $0x10, s15, s6, $0xb8;
	[tilespmem:$0x14400] =	vst v63  }
0x284: {  	s25 =	simm.s32 $0x200;
	s23 =	simm.s32 $0x4400  }
0x285: {  	[tilespmem:s23], [sflag:$0x1] =	stream.indirect.gather [hbm4b:s24+s6], $0x10, s25, s6, $0xb8;
	[tilespmem:$0x14400] =	vst v63  }
0x286: {  	s3 =	simm.s32 $0x280;
	s28 =	simm.s32 $0x4C00  }
0x287: {  	[tilespmem:s28], [sflag:$0x1] =	stream.indirect.gather [hbm4b:s24+s6], $0x10, s3, s6, $0xb8;
	[tilespmem:$0x14400] =	vst v63  }
0x288: {  	s29 =	simm.s32 $0x5400;
	s19 =	simm.s32 $0x300  }
0x289: {  	[tilespmem:s29], [sflag:$0x1] =	stream.indirect.gather [hbm4b:s24+s6], $0x10, s19, s6, $0xb8;
	[tilespmem:$0x14400] =	vst v63  }
0x28a: {  	s5 =	simm.s32 $0x380;
	s30 =	simm.s32 $0x5C00  }
0x28b: {  	[tilespmem:s30], [sflag:$0x1] =	stream.indirect.gather [hbm4b:s24+s6], $0x10, s5, s6, $0xb8;
	[tilespmem:$0x14400] =	vst v63  }
0x28c: {  	s13 =	simm.s32 $0x400;
	s31 =	simm.s32 $0x6400  }
0x28d: {  	[tilespmem:s31], [sflag:$0x1] =	stream.indirect.gather [hbm4b:s24+s6], $0x10, s13, s6, $0xb8;
	[tilespmem:$0x14400] =	vst v63  }
0x28e: {  	s7 =	simm.s32 $0x480;
	s1 =	simm.s32 $0x6C00  }
0x28f: {  	[tilespmem:s1], [sflag:$0x1] =	stream.indirect.gather [hbm4b:s24+s6], $0x10, s7, s6, $0xb8;
	[tilespmem:$0x14400] =	vst v63  }
0x290: {  	s10 =	simm.s32 $0x500;
	s4 =	simm.s32 $0x7400  }
0x291: {  	[tilespmem:s4], [sflag:$0x1] =	stream.indirect.gather [hbm4b:s24+s6], $0x10, s10, s6, $0xb8;
	[tilespmem:$0x14400] =	vst v63  }
0x292: {  	s14 =	simm.s32 $0x580;
	s8 =	simm.s32 $0x7C00  }
0x293: {  	[tilespmem:s8], [sflag:$0x1] =	stream.indirect.gather [hbm4b:s24+s6], $0x10, s14, s6, $0xb8;
	[tilespmem:$0x14400] =	vst v63  }
0x294: {  	s9 =	simm.s32 $0x8400;
	s18 =	simm.s32 $0x600  }
0x295: {  	[tilespmem:s9], [sflag:$0x1] =	stream.indirect.gather [hbm4b:s24+s6], $0x10, s18, s6, $0xb8;
	[tilespmem:$0x14400] =	vst v63  }
0x296: {  	s22 =	simm.s32 $0x8C00;
	s30 =	simm.s32 $0x680  }
0x297: {  	[tilespmem:s22], [sflag:$0x1] =	stream.indirect.gather [hbm4b:s24+s6], $0x10, s30, s6, $0xb8;
	[tilespmem:$0x14400] =	vst v63  }
0x298: {  	s1 =	simm.s32 $0x9400;
	s8 =	simm.s32 $0x700  }
0x299: {  	[tilespmem:s1], [sflag:$0x1] =	stream.indirect.gather [hbm4b:s24+s6], $0x10, s8, s6, $0xb8;
	[tilespmem:$0x14400] =	vst v63  }
0x29a: {  	s4 =	simm.s32 $0x9C00;
	s1 =	simm.s32 $0x780  }
0x29b: {  	[tilespmem:s4], [sflag:$0x1] =	stream.indirect.gather [hbm4b:s24+s6], $0x10, s1, s6, $0xb8;
	[tilespmem:$0x14400] =	vst v63  }
0x29c: {  	s9 =	simm.s32 $0xA400;
	s4 =	simm.s32 $0x800  }
0x29d: {  	[tilespmem:s9], [sflag:$0x1] =	stream.indirect.gather [hbm4b:s24+s6], $0x10, s4, s6, $0xb8;
	[tilespmem:$0x14400] =	vst v63  }
0x29e: {  	s0 =	simm.s32 $0x1;
	s22 =	simm.s32 $0xAC00;
	s9 =	simm.s32 $0x880  }
0x29f: {  	[tilespmem:s22], [sflag:$0x1] =	stream.indirect.gather [hbm4b:s24+s6], $0x10, s9, s6, $0xb8;
	[tilespmem:$0x14400] =	vst v63  }
0x2a0: {  	_ =	swait.ge [sflag:s0], $0x9000  }
0x2a1: {  	s22 =	rddreg [dreg:$0x4];
	[sflag:s0] =	ssyncset.done $0x0  }
0x2a2: {  	s12 =	simm.s32 $0x2400;
	[sflag:s0] =	ssyncadd.s32 $0xFFFF7000;
	s22 =	sadd.s32 s21, s22  }
0x2a3: {  	[hbm4b:s22+s6] =	stream.indirect.scatter [tilespmem:s12], [sflag:$0x2], $0x10, s26, s6, $0xb8;
	[tilespmem:$0x14400] =	vst v63  }
0x2a4: {  	s11 =	simm.s32 $0x2C00  }
0x2a5: {  	[hbm4b:s22+s6] =	stream.indirect.scatter [tilespmem:s11], [sflag:$0x2], $0x10, s6, s6, $0xb8;
	[tilespmem:$0x14400] =	vst v63  }
0x2a6: {  	s16 =	simm.s32 $0x3400  }
0x2a7: {  	[hbm4b:s22+s6] =	stream.indirect.scatter [tilespmem:s16], [sflag:$0x2], $0x10, s2, s6, $0xb8;
	[tilespmem:$0x14400] =	vst v63  }
0x2a8: {  	s17 =	simm.s32 $0x3C00  }
0x2a9: {  	[hbm4b:s22+s6] =	stream.indirect.scatter [tilespmem:s17], [sflag:$0x2], $0x10, s15, s6, $0xb8;
	[tilespmem:$0x14400] =	vst v63  }
0x2aa: {  	s20 =	simm.s32 $0x4400  }
0x2ab: {  	[hbm4b:s22+s6] =	stream.indirect.scatter [tilespmem:s20], [sflag:$0x2], $0x10, s25, s6, $0xb8;
	[tilespmem:$0x14400] =	vst v63  }
0x2ac: {  	s23 =	simm.s32 $0x4C00  }
0x2ad: {  	[hbm4b:s22+s6] =	stream.indirect.scatter [tilespmem:s23], [sflag:$0x2], $0x10, s3, s6, $0xb8;
	[tilespmem:$0x14400] =	vst v63  }
0x2ae: {  	s28 =	simm.s32 $0x5400  }
0x2af: {  	[hbm4b:s22+s6] =	stream.indirect.scatter [tilespmem:s28], [sflag:$0x2], $0x10, s19, s6, $0xb8;
	[tilespmem:$0x14400] =	vst v63  }
0x2b0: {  	s29 =	simm.s32 $0x5C00  }
0x2b1: {  	[hbm4b:s22+s6] =	stream.indirect.scatter [tilespmem:s29], [sflag:$0x2], $0x10, s5, s6, $0xb8;
	[tilespmem:$0x14400] =	vst v63  }
0x2b2: {  	s31 =	simm.s32 $0x6400  }
0x2b3: {  	[hbm4b:s22+s6] =	stream.indirect.scatter [tilespmem:s31], [sflag:$0x2], $0x10, s13, s6, $0xb8;
	[tilespmem:$0x14400] =	vst v63  }
0x2b4: {  	s13 =	simm.s32 $0x6C00  }
0x2b5: {  	[hbm4b:s22+s6] =	stream.indirect.scatter [tilespmem:s13], [sflag:$0x2], $0x10, s7, s6, $0xb8;
	[tilespmem:$0x14400] =	vst v63  }
0x2b6: {  	s15 =	simm.s32 $0x7400  }
0x2b7: {  	[hbm4b:s22+s6] =	stream.indirect.scatter [tilespmem:s15], [sflag:$0x2], $0x10, s10, s6, $0xb8;
	[tilespmem:$0x14400] =	vst v63  }
0x2b8: {  	s16 =	simm.s32 $0x7C00  }
0x2b9: {  	[hbm4b:s22+s6] =	stream.indirect.scatter [tilespmem:s16], [sflag:$0x2], $0x10, s14, s6, $0xb8;
	[tilespmem:$0x14400] =	vst v63  }
0x2ba: {  	s17 =	simm.s32 $0x8400  }
0x2bb: {  	[hbm4b:s22+s6] =	stream.indirect.scatter [tilespmem:s17], [sflag:$0x2], $0x10, s18, s6, $0xb8;
	[tilespmem:$0x14400] =	vst v63  }
0x2bc: {  	s18 =	simm.s32 $0x8C00  }
0x2bd: {  	[hbm4b:s22+s6] =	stream.indirect.scatter [tilespmem:s18], [sflag:$0x2], $0x10, s30, s6, $0xb8;
	[tilespmem:$0x14400] =	vst v63  }
0x2be: {  	s19 =	simm.s32 $0x9400  }
0x2bf: {  	[hbm4b:s22+s6] =	stream.indirect.scatter [tilespmem:s19], [sflag:$0x2], $0x10, s8, s6, $0xb8;
	[tilespmem:$0x14400] =	vst v63  }
0x2c0: {  	s20 =	simm.s32 $0x9C00  }
0x2c1: {  	[hbm4b:s22+s6] =	stream.indirect.scatter [tilespmem:s20], [sflag:$0x2], $0x10, s1, s6, $0xb8;
	[tilespmem:$0x14400] =	vst v63  }
0x2c2: {  	s23 =	simm.s32 $0xA400  }
0x2c3: {  	[hbm4b:s22+s6] =	stream.indirect.scatter [tilespmem:s23], [sflag:$0x2], $0x10, s4, s6, $0xb8;
	[tilespmem:$0x14400] =	vst v63  }
0x2c4: {  	s26 =	simm.s32 @!p0 $0x3;
	s25 =	simm.s32 $0xAC00  }
0x2c5: {  	[hbm4b:s22+s6] =	stream.indirect.scatter [tilespmem:s25], [sflag:$0x2], $0x10, s9, s6, $0xb8;
	[tilespmem:$0x14400] =	vst v63  }
0x2c6: {  	_ =	swait.ge @!p0 [sflag:s26], $0x9000  }
0x2c7: {  	[sflag:s26] =	ssyncset.done @!p0 $0x0  }
0x2c8: {  	s1 =	simm.s32 $0x900;
	[sflag:s26] =	ssyncadd.s32 @!p0 $0xFFFF7000;
	s26 =	simm.s32 $0xB400  }
0x2c9: {  	[tilespmem:s26], [sflag:$0x1] =	stream.indirect.gather [hbm4b:s24+s6], $0x10, s1, s6, $0xb8;
	[tilespmem:$0x14400] =	vst v63  }
0x2ca: {  	s3 =	simm.s32 $0x980;
	s28 =	simm.s32 $0xBC00  }
0x2cb: {  	[tilespmem:s28], [sflag:$0x1] =	stream.indirect.gather [hbm4b:s24+s6], $0x10, s3, s6, $0xb8;
	[tilespmem:$0x14400] =	vst v63  }
0x2cc: {  	s5 =	simm.s32 $0xA00;
	s29 =	simm.s32 $0xC400  }
0x2cd: {  	[tilespmem:s29], [sflag:$0x1] =	stream.indirect.gather [hbm4b:s24+s6], $0x10, s5, s6, $0xb8;
	[tilespmem:$0x14400] =	vst v63  }
0x2ce: {  	s30 =	simm.s32 $0xCC00;
	s8 =	simm.s32 $0xA80  }
0x2cf: {  	[tilespmem:s30], [sflag:$0x1] =	stream.indirect.gather [hbm4b:s24+s6], $0x10, s8, s6, $0xb8;
	[tilespmem:$0x14400] =	vst v63  }
0x2d0: {  	s31 =	simm.s32 $0xD400;
	s10 =	simm.s32 $0xB00  }
0x2d1: {  	[tilespmem:s31], [sflag:$0x1] =	stream.indirect.gather [hbm4b:s24+s6], $0x10, s10, s6, $0xb8;
	[tilespmem:$0x14400] =	vst v63  }
0x2d2: {  	s14 =	simm.s32 $0xB80;
	s4 =	simm.s32 $0xDC00  }
0x2d3: {  	[tilespmem:s4], [sflag:$0x1] =	stream.indirect.gather [hbm4b:s24+s6], $0x10, s14, s6, $0xb8;
	[tilespmem:$0x14400] =	vst v63  }
0x2d4: {  	s7 =	simm.s32 $0xE400;
	s18 =	simm.s32 $0xC00  }
0x2d5: {  	[tilespmem:s7], [sflag:$0x1] =	stream.indirect.gather [hbm4b:s24+s6], $0x10, s18, s6, $0xb8;
	[tilespmem:$0x14400] =	vst v63  }
0x2d6: {  	s25 =	simm.s32 $0xC80;
	s9 =	simm.s32 $0xEC00  }
0x2d7: {  	[tilespmem:s9], [sflag:$0x1] =	stream.indirect.gather [hbm4b:s24+s6], $0x10, s25, s6, $0xb8;
	[tilespmem:$0x14400] =	vst v63  }
0x2d8: {  	s11 =	simm.s32 $0xF400;
	s30 =	simm.s32 $0xD00  }
0x2d9: {  	[tilespmem:s11], [sflag:$0x1] =	stream.indirect.gather [hbm4b:s24+s6], $0x10, s30, s6, $0xb8;
	[tilespmem:$0x14400] =	vst v63  }
0x2da: {  	s12 =	simm.s32 $0xFC00;
	s2 =	simm.s32 $0xD80  }
0x2db: {  	[tilespmem:s12], [sflag:$0x1] =	stream.indirect.gather [hbm4b:s24+s6], $0x10, s2, s6, $0xb8;
	[tilespmem:$0x14400] =	vst v63  }
0x2dc: {  	s13 =	simm.s32 $0x10400;
	s4 =	simm.s32 $0xE00  }
0x2dd: {  	[tilespmem:s13], [sflag:$0x1] =	stream.indirect.gather [hbm4b:s24+s6], $0x10, s4, s6, $0xb8;
	[tilespmem:$0x14400] =	vst v63  }
0x2de: {  	s15 =	simm.s32 $0x10C00;
	s7 =	simm.s32 $0xE80  }
0x2df: {  	[tilespmem:s15], [sflag:$0x1] =	stream.indirect.gather [hbm4b:s24+s6], $0x10, s7, s6, $0xb8;
	[tilespmem:$0x14400] =	vst v63  }
0x2e0: {  	s16 =	simm.s32 $0x11400;
	s9 =	simm.s32 $0xF00  }
0x2e1: {  	[tilespmem:s16], [sflag:$0x1] =	stream.indirect.gather [hbm4b:s24+s6], $0x10, s9, s6, $0xb8;
	[tilespmem:$0x14400] =	vst v63  }
0x2e2: {  	s20 =	simm.s32 $0x11C00;
	s11 =	simm.s32 $0xF80  }
0x2e3: {  	[tilespmem:s20], [sflag:$0x1] =	stream.indirect.gather [hbm4b:s24+s6], $0x10, s11, s6, $0xb8;
	[tilespmem:$0x14400] =	vst v63  }
0x2e4: {  	s13 =	simm.s32 $0x12400;
	s20 =	simm.s32 $0x1000  }
0x2e5: {  	[tilespmem:s13], [sflag:$0x1] =	stream.indirect.gather [hbm4b:s24+s6], $0x10, s20, s6, $0xb8;
	[tilespmem:$0x14400] =	vst v63  }
0x2e6: {  	s12 =	simm.s32 $0x1080;
	s15 =	simm.s32 $0x12C00  }
0x2e7: {  	[tilespmem:s15], [sflag:$0x1] =	stream.indirect.gather [hbm4b:s24+s6], $0x10, s12, s6, $0xb8;
	[tilespmem:$0x14400] =	vst v63  }
0x2e8: {  	s16 =	simm.s32 $0x13400;
	s13 =	simm.s32 $0x1100  }
0x2e9: {  	[tilespmem:s16], [sflag:$0x1] =	stream.indirect.gather [hbm4b:s24+s6], $0x10, s13, s6, $0xb8;
	[tilespmem:$0x14400] =	vst v63  }
0x2ea: {  	s15 =	simm.s32 $0x1180;
	s16 =	simm.s32 $0x13C00  }
0x2eb: {  	[tilespmem:s16], [sflag:$0x1] =	stream.indirect.gather [hbm4b:s24+s6], $0x10, s15, s6, $0xb8;
	[tilespmem:$0x14400] =	vst v63  }
0x2ec: {  	_ =	swait.ge [sflag:s0], $0x9000  }
0x2ed: {  	[sflag:s0] =	ssyncset.done $0x0  }
0x2ee: {  	s17 =	simm.s32 $0xB400;
	[sflag:s0] =	ssyncadd.s32 $0xFFFF7000  }
0x2ef: {  	[hbm4b:s22+s6] =	stream.indirect.scatter [tilespmem:s17], [sflag:$0x3], $0x10, s1, s6, $0xb8;
	[tilespmem:$0x14400] =	vst v63  }
0x2f0: {  	s19 =	simm.s32 $0xBC00  }
0x2f1: {  	[hbm4b:s22+s6] =	stream.indirect.scatter [tilespmem:s19], [sflag:$0x3], $0x10, s3, s6, $0xb8;
	[tilespmem:$0x14400] =	vst v63  }
0x2f2: {  	s23 =	simm.s32 $0xC400  }
0x2f3: {  	[hbm4b:s22+s6] =	stream.indirect.scatter [tilespmem:s23], [sflag:$0x3], $0x10, s5, s6, $0xb8;
	[tilespmem:$0x14400] =	vst v63  }
0x2f4: {  	s5 =	simm.s32 $0xCC00  }
0x2f5: {  	[hbm4b:s22+s6] =	stream.indirect.scatter [tilespmem:s5], [sflag:$0x3], $0x10, s8, s6, $0xb8;
	[tilespmem:$0x14400] =	vst v63  }
0x2f6: {  	s26 =	simm.s32 $0xD400  }
0x2f7: {  	[hbm4b:s22+s6] =	stream.indirect.scatter [tilespmem:s26], [sflag:$0x3], $0x10, s10, s6, $0xb8;
	[tilespmem:$0x14400] =	vst v63  }
0x2f8: {  	s28 =	simm.s32 $0xDC00  }
0x2f9: {  	[hbm4b:s22+s6] =	stream.indirect.scatter [tilespmem:s28], [sflag:$0x3], $0x10, s14, s6, $0xb8;
	[tilespmem:$0x14400] =	vst v63  }
0x2fa: {  	s29 =	simm.s32 $0xE400  }
0x2fb: {  	[hbm4b:s22+s6] =	stream.indirect.scatter [tilespmem:s29], [sflag:$0x3], $0x10, s18, s6, $0xb8;
	[tilespmem:$0x14400] =	vst v63  }
0x2fc: {  	s31 =	simm.s32 $0xEC00  }
0x2fd: {  	[hbm4b:s22+s6] =	stream.indirect.scatter [tilespmem:s31], [sflag:$0x3], $0x10, s25, s6, $0xb8;
	[tilespmem:$0x14400] =	vst v63  }
0x2fe: {  	s10 =	simm.s32 $0xF400  }
0x2ff: {  	[hbm4b:s22+s6] =	stream.indirect.scatter [tilespmem:s10], [sflag:$0x3], $0x10, s30, s6, $0xb8;
	[tilespmem:$0x14400] =	vst v63  }
0x300: {  	s14 =	simm.s32 $0xFC00  }
0x301: {  	[hbm4b:s22+s6] =	stream.indirect.scatter [tilespmem:s14], [sflag:$0x3], $0x10, s2, s6, $0xb8;
	[tilespmem:$0x14400] =	vst v63  }
0x302: {  	s17 =	simm.s32 $0x10400  }
0x303: {  	[hbm4b:s22+s6] =	stream.indirect.scatter [tilespmem:s17], [sflag:$0x3], $0x10, s4, s6, $0xb8;
	[tilespmem:$0x14400] =	vst v63  }
0x304: {  	s18 =	simm.s32 $0x10C00  }
0x305: {  	[hbm4b:s22+s6] =	stream.indirect.scatter [tilespmem:s18], [sflag:$0x3], $0x10, s7, s6, $0xb8;
	[tilespmem:$0x14400] =	vst v63  }
0x306: {  	s19 =	simm.s32 $0x11400  }
0x307: {  	[hbm4b:s22+s6] =	stream.indirect.scatter [tilespmem:s19], [sflag:$0x3], $0x10, s9, s6, $0xb8;
	[tilespmem:$0x14400] =	vst v63  }
0x308: {  	s23 =	simm.s32 $0x11C00  }
0x309: {  	[hbm4b:s22+s6] =	stream.indirect.scatter [tilespmem:s23], [sflag:$0x3], $0x10, s11, s6, $0xb8;
	[tilespmem:$0x14400] =	vst v63  }
0x30a: {  	s24 =	simm.s32 $0x12400  }
0x30b: {  	[hbm4b:s22+s6] =	stream.indirect.scatter [tilespmem:s24], [sflag:$0x3], $0x10, s20, s6, $0xb8;
	[tilespmem:$0x14400] =	vst v63  }
0x30c: {  	s25 =	simm.s32 $0x12C00  }
0x30d: {  	[hbm4b:s22+s6] =	stream.indirect.scatter [tilespmem:s25], [sflag:$0x3], $0x10, s12, s6, $0xb8;
	[tilespmem:$0x14400] =	vst v63  }
0x30e: {  	s26 =	simm.s32 $0x13400  }
0x30f: {  	[hbm4b:s22+s6] =	stream.indirect.scatter [tilespmem:s26], [sflag:$0x3], $0x10, s13, s6, $0xb8;
	[tilespmem:$0x14400] =	vst v63  }
0x310: {  	s28 =	simm.s32 $0x2  }
0x311: {  	[hbm4b:s22+s6] =	stream.indirect.scatter [tilespmem:s16], [sflag:$0x3], $0x10, s15, s6, $0xb8;
	[tilespmem:$0x14400] =	vst v63  }
0x312: {  	_ =	swait.ge [sflag:s28], $0x9000  }
0x313: {  	s30 =	simm.s32 $0x1200;
	s29 =	rddreg [dreg:$0x3];
	[sflag:s28] =	ssyncset.done $0x0  }
0x314: {  	s17 =	simm.s32 $0x2400;
	s20 =	sadd.s32 s21, s29;
	[sflag:s28] =	ssyncadd.s32 $0xFFFF7000  }
0x315: {  	[tilespmem:s17], [sflag:$0x1] =	stream.indirect.gather [hbm4b:s20+s6], $0x10, s30, s6, $0xb8;
	[tilespmem:$0x14400] =	vst v63  }
0x316: {  	s31 =	simm.s32 $0x1280;
	s7 =	simm.s32 $0x2C00  }
0x317: {  	[tilespmem:s7], [sflag:$0x1] =	stream.indirect.gather [hbm4b:s20+s6], $0x10, s31, s6, $0xb8;
	[tilespmem:$0x14400] =	vst v63  }
0x318: {  	s8 =	simm.s32 $0x3400;
	s2 =	simm.s32 $0x1300  }
0x319: {  	[tilespmem:s8], [sflag:$0x1] =	stream.indirect.gather [hbm4b:s20+s6], $0x10, s2, s6, $0xb8;
	[tilespmem:$0x14400] =	vst v63  }
0x31a: {  	s9 =	simm.s32 $0x3C00;
	s23 =	simm.s32 $0x1380  }
0x31b: {  	[tilespmem:s9], [sflag:$0x1] =	stream.indirect.gather [hbm4b:s20+s6], $0x10, s23, s6, $0xb8;
	[tilespmem:$0x14400] =	vst v63  }
0x31c: {  	s10 =	simm.s32 $0x4400;
	s26 =	simm.s32 $0x1400  }
0x31d: {  	[tilespmem:s10], [sflag:$0x1] =	stream.indirect.gather [hbm4b:s20+s6], $0x10, s26, s6, $0xb8;
	[tilespmem:$0x14400] =	vst v63  }
0x31e: {  	s11 =	simm.s32 $0x4C00;
	s28 =	simm.s32 $0x1480  }
0x31f: {  	[tilespmem:s11], [sflag:$0x1] =	stream.indirect.gather [hbm4b:s20+s6], $0x10, s28, s6, $0xb8;
	[tilespmem:$0x14400] =	vst v63  }
0x320: {  	s12 =	simm.s32 $0x5400;
	s29 =	simm.s32 $0x1500  }
0x321: {  	[tilespmem:s12], [sflag:$0x1] =	stream.indirect.gather [hbm4b:s20+s6], $0x10, s29, s6, $0xb8;
	[tilespmem:$0x14400] =	vst v63  }
0x322: {  	s13 =	simm.s32 $0x5C00;
	s31 =	simm.s32 $0x1580  }
0x323: {  	[tilespmem:s13], [sflag:$0x1] =	stream.indirect.gather [hbm4b:s20+s6], $0x10, s31, s6, $0xb8;
	[tilespmem:$0x14400] =	vst v63  }
0x324: {  	s3 =	simm.s32 $0x1600;
	s14 =	simm.s32 $0x6400  }
0x325: {  	[tilespmem:s14], [sflag:$0x1] =	stream.indirect.gather [hbm4b:s20+s6], $0x10, s3, s6, $0xb8;
	[tilespmem:$0x14400] =	vst v63  }
0x326: {  	s1 =	simm.s32 $0x6C00;
	s4 =	simm.s32 $0x1680  }
0x327: {  	[tilespmem:s1], [sflag:$0x1] =	stream.indirect.gather [hbm4b:s20+s6], $0x10, s4, s6, $0xb8;
	[tilespmem:$0x14400] =	vst v63  }
0x328: {  	s5 =	simm.s32 $0x1700;
	s2 =	simm.s32 $0x7400  }
0x329: {  	[tilespmem:s2], [sflag:$0x1] =	stream.indirect.gather [hbm4b:s20+s6], $0x10, s5, s6, $0xb8;
	[tilespmem:$0x14400] =	vst v63  }
0x32a: {  	s15 =	simm.s32 $0x1780;
	s3 =	simm.s32 $0x7C00  }
0x32b: {  	[tilespmem:s3], [sflag:$0x1] =	stream.indirect.gather [hbm4b:s20+s6], $0x10, s15, s6, $0xb8;
	[tilespmem:$0x14400] =	vst v63  }
0x32c: {  	s16 =	simm.s32 $0x1800;
	s4 =	simm.s32 $0x8400  }
0x32d: {  	[tilespmem:s4], [sflag:$0x1] =	stream.indirect.gather [hbm4b:s20+s6], $0x10, s16, s6, $0xb8;
	[tilespmem:$0x14400] =	vst v63  }
0x32e: {  	s18 =	simm.s32 $0x1880;
	s5 =	simm.s32 $0x8C00  }
0x32f: {  	[tilespmem:s5], [sflag:$0x1] =	stream.indirect.gather [hbm4b:s20+s6], $0x10, s18, s6, $0xb8;
	[tilespmem:$0x14400] =	vst v63  }
0x330: {  	s19 =	simm.s32 $0x1900;
	s15 =	simm.s32 $0x9400  }
0x331: {  	[tilespmem:s15], [sflag:$0x1] =	stream.indirect.gather [hbm4b:s20+s6], $0x10, s19, s6, $0xb8;
	[tilespmem:$0x14400] =	vst v63  }
0x332: {  	s24 =	simm.s32 $0x1980;
	s16 =	simm.s32 $0x9C00  }
0x333: {  	[tilespmem:s16], [sflag:$0x1] =	stream.indirect.gather [hbm4b:s20+s6], $0x10, s24, s6, $0xb8;
	[tilespmem:$0x14400] =	vst v63  }
0x334: {  	s25 =	simm.s32 $0x1A00;
	s18 =	simm.s32 $0xA400  }
0x335: {  	[tilespmem:s18], [sflag:$0x1] =	stream.indirect.gather [hbm4b:s20+s6], $0x10, s25, s6, $0xb8;
	[tilespmem:$0x14400] =	vst v63  }
0x336: {  	s30 =	simm.s32 $0x1A80;
	s19 =	simm.s32 $0xAC00  }
0x337: {  	[tilespmem:s19], [sflag:$0x1] =	stream.indirect.gather [hbm4b:s20+s6], $0x10, s30, s6, $0xb8;
	[tilespmem:$0x14400] =	vst v63  }
0x338: {  	_ =	swait.ge [sflag:s0], $0x9000  }
0x339: {  	[sflag:s0] =	ssyncset.done $0x0  }
0x33a: {  	s21 =	simm.s32 $0x1200;
	[sflag:s0] =	ssyncadd.s32 $0xFFFF7000  }
0x33b: {  	[hbm4b:s22+s6] =	stream.indirect.scatter [tilespmem:s17], [sflag:$0x2], $0x10, s21, s6, $0xb8;
	[tilespmem:$0x14400] =	vst v63  }
0x33c: {  	s21 =	simm.s32 $0x1280  }
0x33d: {  	[hbm4b:s22+s6] =	stream.indirect.scatter [tilespmem:s7], [sflag:$0x2], $0x10, s21, s6, $0xb8;
	[tilespmem:$0x14400] =	vst v63  }
0x33e: {  	s21 =	simm.s32 $0x1300  }
0x33f: {  	[hbm4b:s22+s6] =	stream.indirect.scatter [tilespmem:s8], [sflag:$0x2], $0x10, s21, s6, $0xb8;
	[tilespmem:$0x14400] =	vst v63  }
0x340: {  	_ = 	snop  }
0x341: {  	[hbm4b:s22+s6] =	stream.indirect.scatter [tilespmem:s9], [sflag:$0x2], $0x10, s23, s6, $0xb8;
	[tilespmem:$0x14400] =	vst v63  }
0x342: {  	_ = 	snop  }
0x343: {  	[hbm4b:s22+s6] =	stream.indirect.scatter [tilespmem:s10], [sflag:$0x2], $0x10, s26, s6, $0xb8;
	[tilespmem:$0x14400] =	vst v63  }
0x344: {  	_ = 	snop  }
0x345: {  	[hbm4b:s22+s6] =	stream.indirect.scatter [tilespmem:s11], [sflag:$0x2], $0x10, s28, s6, $0xb8;
	[tilespmem:$0x14400] =	vst v63  }
0x346: {  	_ = 	snop  }
0x347: {  	[hbm4b:s22+s6] =	stream.indirect.scatter [tilespmem:s12], [sflag:$0x2], $0x10, s29, s6, $0xb8;
	[tilespmem:$0x14400] =	vst v63  }
0x348: {  	_ = 	snop  }
0x349: {  	[hbm4b:s22+s6] =	stream.indirect.scatter [tilespmem:s13], [sflag:$0x2], $0x10, s31, s6, $0xb8;
	[tilespmem:$0x14400] =	vst v63  }
0x34a: {  	s29 =	simm.s32 $0x1600  }
0x34b: {  	[hbm4b:s22+s6] =	stream.indirect.scatter [tilespmem:s14], [sflag:$0x2], $0x10, s29, s6, $0xb8;
	[tilespmem:$0x14400] =	vst v63  }
0x34c: {  	s31 =	simm.s32 $0x1680  }
0x34d: {  	[hbm4b:s22+s6] =	stream.indirect.scatter [tilespmem:s1], [sflag:$0x2], $0x10, s31, s6, $0xb8;
	[tilespmem:$0x14400] =	vst v63  }
0x34e: {  	s7 =	simm.s32 $0x1700  }
0x34f: {  	[hbm4b:s22+s6] =	stream.indirect.scatter [tilespmem:s2], [sflag:$0x2], $0x10, s7, s6, $0xb8;
	[tilespmem:$0x14400] =	vst v63  }
0x350: {  	s8 =	simm.s32 $0x1780  }
0x351: {  	[hbm4b:s22+s6] =	stream.indirect.scatter [tilespmem:s3], [sflag:$0x2], $0x10, s8, s6, $0xb8;
	[tilespmem:$0x14400] =	vst v63  }
0x352: {  	s9 =	simm.s32 $0x1800  }
0x353: {  	[hbm4b:s22+s6] =	stream.indirect.scatter [tilespmem:s4], [sflag:$0x2], $0x10, s9, s6, $0xb8;
	[tilespmem:$0x14400] =	vst v63  }
0x354: {  	s10 =	simm.s32 $0x1880  }
0x355: {  	[hbm4b:s22+s6] =	stream.indirect.scatter [tilespmem:s5], [sflag:$0x2], $0x10, s10, s6, $0xb8;
	[tilespmem:$0x14400] =	vst v63  }
0x356: {  	s11 =	simm.s32 $0x1900  }
0x357: {  	[hbm4b:s22+s6] =	stream.indirect.scatter [tilespmem:s15], [sflag:$0x2], $0x10, s11, s6, $0xb8;
	[tilespmem:$0x14400] =	vst v63  }
0x358: {  	_ = 	snop  }
0x359: {  	[hbm4b:s22+s6] =	stream.indirect.scatter [tilespmem:s16], [sflag:$0x2], $0x10, s24, s6, $0xb8;
	[tilespmem:$0x14400] =	vst v63  }
0x35a: {  	_ = 	snop  }
0x35b: {  	[hbm4b:s22+s6] =	stream.indirect.scatter [tilespmem:s18], [sflag:$0x2], $0x10, s25, s6, $0xb8;
	[tilespmem:$0x14400] =	vst v63  }
0x35c: {  	s2 =	simm.s32 $0x3  }
0x35d: {  	[hbm4b:s22+s6] =	stream.indirect.scatter [tilespmem:s19], [sflag:$0x2], $0x10, s30, s6, $0xb8;
	[tilespmem:$0x14400] =	vst v63  }
0x35e: {  	_ =	swait.ge [sflag:s2], $0x9000  }
0x35f: {  	[sflag:s2] =	ssyncset.done $0x0  }
0x360: {  	s17 =	simm.s32 $0xB400;
	s12 =	simm.s32 $0x1B00;
	[sflag:s2] =	ssyncadd.s32 $0xFFFF7000  }
0x361: {  	[tilespmem:s17], [sflag:$0x1] =	stream.indirect.gather [hbm4b:s20+s6], $0x10, s12, s6, $0xb8;
	[tilespmem:$0x14400] =	vst v63  }
0x362: {  	s13 =	simm.s32 $0x1B80;
	s19 =	simm.s32 $0xBC00  }
0x363: {  	[tilespmem:s19], [sflag:$0x1] =	stream.indirect.gather [hbm4b:s20+s6], $0x10, s13, s6, $0xb8;
	[tilespmem:$0x14400] =	vst v63  }
0x364: {  	s23 =	simm.s32 $0xC400;
	s14 =	simm.s32 $0x1C00  }
0x365: {  	[tilespmem:s23], [sflag:$0x1] =	stream.indirect.gather [hbm4b:s20+s6], $0x10, s14, s6, $0xb8;
	[tilespmem:$0x14400] =	vst v63  }
0x366: {  	s15 =	simm.s32 $0x1C80;
	s12 =	simm.s32 $0xCC00  }
0x367: {  	[tilespmem:s12], [sflag:$0x1] =	stream.indirect.gather [hbm4b:s20+s6], $0x10, s15, s6, $0xb8;
	[tilespmem:$0x14400] =	vst v63  }
0x368: {  	s26 =	simm.s32 $0xD400;
	s16 =	simm.s32 $0x1D00  }
0x369: {  	[tilespmem:s26], [sflag:$0x1] =	stream.indirect.gather [hbm4b:s20+s6], $0x10, s16, s6, $0xb8;
	[tilespmem:$0x14400] =	vst v63  }
0x36a: {  	s28 =	simm.s32 $0xDC00;
	s18 =	simm.s32 $0x1D80  }
0x36b: {  	[tilespmem:s28], [sflag:$0x1] =	stream.indirect.gather [hbm4b:s20+s6], $0x10, s18, s6, $0xb8;
	[tilespmem:$0x14400] =	vst v63  }
0x36c: {  	s21 =	simm.s32 $0x1E00;
	s29 =	simm.s32 $0xE400  }
0x36d: {  	[tilespmem:s29], [sflag:$0x1] =	stream.indirect.gather [hbm4b:s20+s6], $0x10, s21, s6, $0xb8;
	[tilespmem:$0x14400] =	vst v63  }
0x36e: {  	s31 =	simm.s32 $0xEC00;
	s24 =	simm.s32 $0x1E80  }
0x36f: {  	[tilespmem:s31], [sflag:$0x1] =	stream.indirect.gather [hbm4b:s20+s6], $0x10, s24, s6, $0xb8;
	[tilespmem:$0x14400] =	vst v63  }
0x370: {  	s1 =	simm.s32 $0xF400;
	s25 =	simm.s32 $0x1F00  }
0x371: {  	[tilespmem:s1], [sflag:$0x1] =	stream.indirect.gather [hbm4b:s20+s6], $0x10, s25, s6, $0xb8;
	[tilespmem:$0x14400] =	vst v63  }
0x372: {  	s4 =	simm.s32 $0xFC00;
	s30 =	simm.s32 $0x1F80  }
0x373: {  	[tilespmem:s4], [sflag:$0x1] =	stream.indirect.gather [hbm4b:s20+s6], $0x10, s30, s6, $0xb8;
	[tilespmem:$0x14400] =	vst v63  }
0x374: {  	s5 =	simm.s32 $0x10400;
	s14 =	simm.s32 $0x2000  }
0x375: {  	[tilespmem:s5], [sflag:$0x1] =	stream.indirect.gather [hbm4b:s20+s6], $0x10, s14, s6, $0xb8;
	[tilespmem:$0x14400] =	vst v63  }
0x376: {  	s11 =	simm.s32 $0x10C00;
	s15 =	simm.s32 $0x2080  }
0x377: {  	[tilespmem:s11], [sflag:$0x1] =	stream.indirect.gather [hbm4b:s20+s6], $0x10, s15, s6, $0xb8;
	[tilespmem:$0x14400] =	vst v63  }
0x378: {  	s13 =	simm.s32 $0x11400;
	s18 =	simm.s32 $0x2100  }
0x379: {  	[tilespmem:s13], [sflag:$0x1] =	stream.indirect.gather [hbm4b:s20+s6], $0x10, s18, s6, $0xb8;
	[tilespmem:$0x14400] =	vst v63  }
0x37a: {  	s7 =	simm.s32 $0x11C00;
	s21 =	simm.s32 $0x2180  }
0x37b: {  	[tilespmem:s7], [sflag:$0x1] =	stream.indirect.gather [hbm4b:s20+s6], $0x10, s21, s6, $0xb8;
	[tilespmem:$0x14400] =	vst v63  }
0x37c: {  	s8 =	simm.s32 $0x12400;
	s24 =	simm.s32 $0x2200  }
0x37d: {  	[tilespmem:s8], [sflag:$0x1] =	stream.indirect.gather [hbm4b:s20+s6], $0x10, s24, s6, $0xb8;
	[tilespmem:$0x14400] =	vst v63  }
0x37e: {  	s9 =	simm.s32 $0x12C00;
	s25 =	simm.s32 $0x2280  }
0x37f: {  	[tilespmem:s9], [sflag:$0x1] =	stream.indirect.gather [hbm4b:s20+s6], $0x10, s25, s6, $0xb8;
	[tilespmem:$0x14400] =	vst v63  }
0x380: {  	s10 =	simm.s32 $0x13400;
	s30 =	simm.s32 $0x2300  }
0x381: {  	[tilespmem:s10], [sflag:$0x1] =	stream.indirect.gather [hbm4b:s20+s6], $0x10, s30, s6, $0xb8;
	[tilespmem:$0x14400] =	vst v63  }
0x382: {  	s3 =	simm.s32 $0x2380;
	s16 =	simm.s32 $0x13C00  }
0x383: {  	[tilespmem:s16], [sflag:$0x1] =	stream.indirect.gather [hbm4b:s20+s6], $0x10, s3, s6, $0xb8;
	[tilespmem:$0x14400] =	vst v63  }
0x384: {  	_ =	swait.ge [sflag:s0], $0x9000  }
0x385: {  	[sflag:s0] =	ssyncset.done $0x0  }
0x386: {  	s3 =	simm.s32 $0x1B00;
	[sflag:s0] =	ssyncadd.s32 $0xFFFF7000  }
0x387: {  	[hbm4b:s22+s6] =	stream.indirect.scatter [tilespmem:s17], [sflag:$0x3], $0x10, s3, s6, $0xb8;
	[tilespmem:$0x14400] =	vst v63  }
0x388: {  	s17 =	simm.s32 $0x1B80  }
0x389: {  	[hbm4b:s22+s6] =	stream.indirect.scatter [tilespmem:s19], [sflag:$0x3], $0x10, s17, s6, $0xb8;
	[tilespmem:$0x14400] =	vst v63  }
0x38a: {  	s20 =	simm.s32 $0x1C00  }
0x38b: {  	[hbm4b:s22+s6] =	stream.indirect.scatter [tilespmem:s23], [sflag:$0x3], $0x10, s20, s6, $0xb8;
	[tilespmem:$0x14400] =	vst v63  }
0x38c: {  	s3 =	simm.s32 $0x1C80  }
0x38d: {  	[hbm4b:s22+s6] =	stream.indirect.scatter [tilespmem:s12], [sflag:$0x3], $0x10, s3, s6, $0xb8;
	[tilespmem:$0x14400] =	vst v63  }
0x38e: {  	s12 =	simm.s32 $0x1D00  }
0x38f: {  	[hbm4b:s22+s6] =	stream.indirect.scatter [tilespmem:s26], [sflag:$0x3], $0x10, s12, s6, $0xb8;
	[tilespmem:$0x14400] =	vst v63  }
0x390: {  	s17 =	simm.s32 $0x1D80  }
0x391: {  	[hbm4b:s22+s6] =	stream.indirect.scatter [tilespmem:s28], [sflag:$0x3], $0x10, s17, s6, $0xb8;
	[tilespmem:$0x14400] =	vst v63  }
0x392: {  	s19 =	simm.s32 $0x1E00  }
0x393: {  	[hbm4b:s22+s6] =	stream.indirect.scatter [tilespmem:s29], [sflag:$0x3], $0x10, s19, s6, $0xb8;
	[tilespmem:$0x14400] =	vst v63  }
0x394: {  	s20 =	simm.s32 $0x1E80  }
0x395: {  	[hbm4b:s22+s6] =	stream.indirect.scatter [tilespmem:s31], [sflag:$0x3], $0x10, s20, s6, $0xb8;
	[tilespmem:$0x14400] =	vst v63  }
0x396: {  	s23 =	simm.s32 $0x1F00  }
0x397: {  	[hbm4b:s22+s6] =	stream.indirect.scatter [tilespmem:s1], [sflag:$0x3], $0x10, s23, s6, $0xb8;
	[tilespmem:$0x14400] =	vst v63  }
0x398: {  	s26 =	simm.s32 $0x1F80  }
0x399: {  	[hbm4b:s22+s6] =	stream.indirect.scatter [tilespmem:s4], [sflag:$0x3], $0x10, s26, s6, $0xb8;
	[tilespmem:$0x14400] =	vst v63  }
0x39a: {  	_ = 	snop  }
0x39b: {  	[hbm4b:s22+s6] =	stream.indirect.scatter [tilespmem:s5], [sflag:$0x3], $0x10, s14, s6, $0xb8;
	[tilespmem:$0x14400] =	vst v63  }
0x39c: {  	_ = 	snop  }
0x39d: {  	[hbm4b:s22+s6] =	stream.indirect.scatter [tilespmem:s11], [sflag:$0x3], $0x10, s15, s6, $0xb8;
	[tilespmem:$0x14400] =	vst v63  }
0x39e: {  	_ = 	snop  }
0x39f: {  	[hbm4b:s22+s6] =	stream.indirect.scatter [tilespmem:s13], [sflag:$0x3], $0x10, s18, s6, $0xb8;
	[tilespmem:$0x14400] =	vst v63  }
0x3a0: {  	_ = 	snop  }
0x3a1: {  	[hbm4b:s22+s6] =	stream.indirect.scatter [tilespmem:s7], [sflag:$0x3], $0x10, s21, s6, $0xb8;
	[tilespmem:$0x14400] =	vst v63  }
0x3a2: {  	_ = 	snop  }
0x3a3: {  	[hbm4b:s22+s6] =	stream.indirect.scatter [tilespmem:s8], [sflag:$0x3], $0x10, s24, s6, $0xb8;
	[tilespmem:$0x14400] =	vst v63  }
0x3a4: {  	_ = 	snop  }
0x3a5: {  	[hbm4b:s22+s6] =	stream.indirect.scatter [tilespmem:s9], [sflag:$0x3], $0x10, s25, s6, $0xb8;
	[tilespmem:$0x14400] =	vst v63  }
0x3a6: {  	_ = 	snop  }
0x3a7: {  	[hbm4b:s22+s6] =	stream.indirect.scatter [tilespmem:s10], [sflag:$0x3], $0x10, s30, s6, $0xb8;
	[tilespmem:$0x14400] =	vst v63  }
0x3a8: {  	s28 =	simm.s32 $0x2380;
	s29 =	simm.s32 $0x2  }
0x3a9: {  	[hbm4b:s22+s6] =	stream.indirect.scatter [tilespmem:s16], [sflag:$0x3], $0x10, s28, s6, $0xb8;
	[tilespmem:$0x14400] =	vst v63  }
0x3aa: {  	_ =	swait.ge [sflag:s29], $0x9000  }
0x3ab: {  	[sflag:s29] =	ssyncset.done $0x0  }
0x3ac: {  	[sflag:s29] =	ssyncadd.s32 $0xFFFF7000  }
0x3ad: {  	_ =	swait.ge [sflag:s2], $0x9000  }
0x3ae: {  	s30 =	rddreg [dreg:$0xb]  }
0x3af: {  	s31 =	rddreg [dreg:$0xa];
	s0 =	sadd.s32 $0x1, s30  }
0x3b0: {  	p0 =	sne.s32 s0, s31  }
.Ltmp1:
0x3b1: {  	_ = 	snop;
	(pc) =	sbr.rel @p0 .LBB2_1-.Ltmp1, $3  }
0x3b2: {  	_ =	sdelay $0x1  }
0x3b3: {  	[sflag:s2] =	ssyncset.done $0x0  }
0x3b4: {  	[sflag:s2] =	ssyncadd.s32 $0xFFFF7000  }
0x3b5: {  	_ =	sfence.sel $0x180000  }
0x3b6: {  	[bflag:$0x0] =	sbarrier.arrive $0xFFFF  }
0x3b7: {  	_ =	strace $0x90000047  }
0x3b8: {  	s0 =	stileid.u32;
	[bflag:$0x2] =	sbarrier.arrive $0xFFFF  }
0x3b9: {  	p0 =	sne.s32 s0, $0x0;
	s0 =	rddreg [dreg:$0x2]  }
0x3ba: {  	s0 =	sadd.s32 @!p0 $0x100000, s0  }
0x3bb: {  	[sflag:s0] =	ssyncadd.tile.s32 @!p0 $0x1;
	_ =	shalt  }
.Lfunc_end2:
_tile_overlayer_lowered:
.L_overlay_start_2:
0x3bc: {  	(tag) =	ssettag $0x2  }
0x3bd: {  	s0 =	rddreg [dreg:$0x0];
	s2 =	stileid.u32  }
0x3be: {  	s1 =	rddreg [dreg:$0x1];
	p0 =	sne.s32 s2, $0x0  }
0x3bf: {  	s3 =	rddreg [dreg:$0x2];
	[bflag:$0x3] =	sbarrier.arrive $0xFFFF;
	s2 =	simm.s32 @!p0 $0x1C04  }
0x3c0: {  	[timem:s3], [sflag:s2] =	dma.local @!p0 [hbm:s0], s1  }
0x3c1: {  	s0 =	simm.s32 @!p0 $0x4  }
0x3c2: {  	_ =	swait.ge @!p0 [sflag:s0], s1  }
0x3c3: {  	s1 =	ssub.s32 @!p0 $0x0, s1;
	[sflag:s0] =	ssyncset.done @!p0 $0x0  }
0x3c4: {  	[sflag:s0] =	ssyncadd.s32 @!p0 s1  }
0x3c5: {  	[bflag:$0x3] =	sbarrier.arrive $0xFFFF  }
0x3c6: {  	_ =	shalt  }

</sc_bundles>
